<compile_context>
chip_gen: v7x
topology: tpu7x:2x2x1
jax: 0.10.2.dev20260603
libtpu: 0.0.44.dev20260713+nightly
codegen_flags: <defaults>
</compile_context>

<pallas_src>
import functools

import jax
import jax.numpy as jnp
from jax import lax
from jax.experimental import pallas as pl
from jax.experimental.pallas import tpu as pltpu
from jax.experimental.pallas import tpu_sc as plsc

_NUM_WORKERS = 32
_LANES = 16


@functools.lru_cache(maxsize=None)
def _make_emb(total, D, S):
    rows_per_w = total // _NUM_WORKERS
    CH = S
    CHW = CH * D
    chunks = rows_per_w // CH
    pairs = chunks // 2

    mesh = plsc.VectorSubcoreMesh(core_axis_name="c", subcore_axis_name="s")

    @functools.partial(
        pl.kernel,
        mesh=mesh,
        compiler_params=pltpu.CompilerParams(use_tc_tiling_on_sc=False),
        out_type=jax.ShapeDtypeStruct((total, D), jnp.float32),
        scratch_types=[
            pltpu.VMEM((S, D), jnp.float32),
            pltpu.VMEM((CH,), jnp.int32),
            pltpu.VMEM((CH,), jnp.int32),
            pltpu.VMEM((CH, D), jnp.float32),
            pltpu.VMEM((CH, D), jnp.float32),
            pltpu.SemaphoreType.DMA,
            pltpu.SemaphoreType.DMA,
            pltpu.SemaphoreType.DMA,
            pltpu.SemaphoreType.DMA,
            pltpu.SemaphoreType.DMA,
            pltpu.SemaphoreType.DMA,
        ],
    )
    def emb(idx_hbm, table_hbm, pos_hbm, out_hbm,
            pos_v, idx_a, idx_b, g_a, g_b,
            isem_a, isem_b, gsem_a, gsem_b, ssem_a, ssem_b):
        wid = lax.axis_index("s") * 2 + lax.axis_index("c")
        base = wid * rows_per_w

        idx_v = (idx_a, idx_b)
        g_v = (g_a, g_b)
        isem = (isem_a, isem_b)
        gsem = (gsem_a, gsem_b)
        ssem = (ssem_a, ssem_b)

        def idx_load(c, k):
            pltpu.async_copy(idx_hbm.at[pl.ds(base + c * CH, CH)], idx_v[k], isem[k])

        def gather(k):
            pltpu.async_copy(table_hbm.at[idx_v[k]], g_v[k], gsem[k])

        def wait_idx(k):
            pltpu.make_async_copy(idx_hbm.at[pl.ds(0, CH)], idx_v[k], isem[k]).wait()

        def wait_gather(k):
            pltpu.make_async_copy(table_hbm.at[idx_v[k]], g_v[k], gsem[k]).wait()

        def wait_store(k):
            pltpu.make_async_copy(g_v[k], out_hbm.at[pl.ds(0, CH)], ssem[k]).wait()

        def step(c, k, first, last, load_next=True):
            if not last:
                wait_idx(1 - k)
                if not first:
                    wait_store(1 - k)
                gather(1 - k)
            wait_gather(k)
            if load_next:
                idx_load(c + 2, k)

            def add_body(r, carry):
                for j in range(D // _LANES):
                    sl = pl.ds(j * _LANES, _LANES)
                    g_v[k][r, sl] += pos_v[r, sl]
                return carry

            lax.fori_loop(0, S, add_body, 0, unroll=2)
            pltpu.async_copy(
                g_v[k], out_hbm.at[pl.ds(base + c * CH, CH)], ssem[k])

        idx_load(0, 0)
        idx_load(1, 1)
        pltpu.sync_copy(pos_hbm, pos_v)
        wait_idx(0)
        gather(0)

        step(0, 0, True, False)
        step(1, 1, False, False)

        def body(i, carry):
            c = 2 + 2 * i
            step(c, 0, False, False)
            step(c + 1, 1, False, False)
            return carry

        lax.fori_loop(0, pairs - 2, body, 0)
        step(chunks - 2, 0, False, False, load_next=False)
        step(chunks - 1, 1, False, True, load_next=False)

        wait_store(0)
        wait_store(1)

    return emb


def kernel(inputs, word_table, pos_table):
    B, S = inputs.shape
    V, D = word_table.shape
    total = B * S
    idx_flat = inputs.reshape(total)
    emb = _make_emb(total, D, S)
    flat = emb(idx_flat, word_table, pos_table)
    return flat.reshape(B, S, D)

# --- scband reference (transcript-rebuilt; emitter-appended) ---
"""Pipeline reference for scband-position-embedding-fixed-weights-65704409694885 (READ-ONLY COPY).

The authoritative reference and input builder live on the scoring server;
editing this copy changes nothing except your own understanding.
"""

import jax, jax.numpy as jnp
import numpy as np

SEQ_LEN = 200
VOCAB = 1000000
DIM = 64
BATCH = 4096


def get_position_encoding(seq_len, d, n=10000):
    P = np.zeros((seq_len, d), dtype=np.float32)
    k = np.arange(seq_len, dtype=np.float64)[:, None]
    i = np.arange(d // 2, dtype=np.float64)[None, :]
    denominator = np.power(float(n), 2.0 * i / d)
    P[:, 0::2] = np.sin(k / denominator)
    P[:, 1::2] = np.cos(k / denominator)
    return P


def setup_inputs(seed: int = 0) -> dict:
    key = jax.random.key(seed)
    k1, k2 = jax.random.split(key)
    inputs = jax.random.randint(k1, (BATCH, SEQ_LEN), 0, VOCAB, dtype=jnp.int32)
    # Trainable word embedding table (Keras Embedding default uniform init)
    word_table = jax.random.uniform(k2, (VOCAB, DIM), dtype=jnp.float32, minval=-0.05, maxval=0.05)
    # Fixed sinusoidal position embedding table
    pos_table = jnp.asarray(get_position_encoding(SEQ_LEN, DIM))
    return {"inputs": inputs, "word_table": word_table, "pos_table": pos_table}


def reference(inputs, word_table, pos_table):
    position_indices = jnp.arange(inputs.shape[-1])
    embedded_words = jnp.take(word_table, inputs, axis=0)
    embedded_indices = jnp.take(pos_table, position_indices, axis=0)
    return embedded_words + embedded_indices

if __name__ == "__main__":
    import jax
    _d = setup_inputs()
    print(jax.jit(kernel)(*tuple(_d.values())))

</pallas_src>

<mosaic_0001>
#map = affine_map<(d0, d1) -> (0)>
#map1 = affine_map<(d0, d1) -> (0, 0)>
module attributes {stable_mosaic.version = 14 : i64} {
  func.func @emb(%arg0: i32, %arg1: i32, %arg2: memref<819200xi32, #tpu.memory_space<hbm>>, %arg3: memref<1000000x64xf32, #tpu.memory_space<hbm>>, %arg4: memref<200x64xf32, #tpu.memory_space<hbm>>, %arg5: memref<819200x64xf32, #tpu.memory_space<hbm>>, %arg6: memref<200x64xf32, #tpu.memory_space<vmem>>, %arg7: memref<200xi32, #tpu.memory_space<vmem>>, %arg8: memref<200xi32, #tpu.memory_space<vmem>>, %arg9: memref<200x64xf32, #tpu.memory_space<vmem>>, %arg10: memref<200x64xf32, #tpu.memory_space<vmem>>, %arg11: memref<!tpu.dma_semaphore, #tpu.memory_space<semaphore_mem>>, %arg12: memref<!tpu.dma_semaphore, #tpu.memory_space<semaphore_mem>>, %arg13: memref<!tpu.dma_semaphore, #tpu.memory_space<semaphore_mem>>, %arg14: memref<!tpu.dma_semaphore, #tpu.memory_space<semaphore_mem>>, %arg15: memref<!tpu.dma_semaphore, #tpu.memory_space<semaphore_mem>>, %arg16: memref<!tpu.dma_semaphore, #tpu.memory_space<semaphore_mem>>) attributes {dimension_semantics = [#tpu.dimension_semantics<core_parallel>, #tpu.dimension_semantics<subcore_parallel>], iteration_bounds = array<i64: 2, 16>, scalar_prefetch = 0 : i64, scratch_operands = 11 : i64, tpu.core_type = #tpu.core_type<sc_vector_subcore>, window_params = [{transform_indices = #map}, {transform_indices = #map1}, {transform_indices = #map1}, {transform_indices = #map1}]} {
    %mul3A = arith.constant 2 : i32
    %mul3A_0 = arith.muli %arg1, %mul3A : i32
    %add3A = arith.addi %mul3A_0, %arg0 : i32
    %mul3A_1 = arith.constant 25600 : i32
    %mul3A_2 = arith.muli %add3A, %mul3A_1 : i32
    %add3A_3 = arith.constant 0 : i32
    %add3A_4 = arith.addi %mul3A_2, %add3A_3 : i32
    %dma_start3A = tpu.memref_slice %arg2[%add3A_4] : memref<819200xi32, #tpu.memory_space<hbm>> -> memref<200xi32, #tpu.memory_space<hbm>>
    %dma_start3A_5 = tpu.memref_slice %arg2[%add3A_4] : memref<819200xi32, #tpu.memory_space<hbm>> -> memref<200xi32, #tpu.memory_space<hbm>>
    tpu.enqueue_dma source(%dma_start3A_5 : memref<200xi32, #tpu.memory_space<hbm>>) target(%arg7 : memref<200xi32, #tpu.memory_space<vmem>>) target_semaphore(%arg11 : memref<!tpu.dma_semaphore, #tpu.memory_space<semaphore_mem>>)
    %add3A_6 = arith.constant 200 : i32
    %add3A_7 = arith.addi %mul3A_2, %add3A_6 : i32
    %dma_start3A_8 = tpu.memref_slice %arg2[%add3A_7] : memref<819200xi32, #tpu.memory_space<hbm>> -> memref<200xi32, #tpu.memory_space<hbm>>
    %dma_start3A_9 = tpu.memref_slice %arg2[%add3A_7] : memref<819200xi32, #tpu.memory_space<hbm>> -> memref<200xi32, #tpu.memory_space<hbm>>
    tpu.enqueue_dma source(%dma_start3A_9 : memref<200xi32, #tpu.memory_space<hbm>>) target(%arg8 : memref<200xi32, #tpu.memory_space<vmem>>) target_semaphore(%arg12 : memref<!tpu.dma_semaphore, #tpu.memory_space<semaphore_mem>>)
    "tpu.region"() ({
      %run_scoped3A = tpu.sem_alloc : memref<!tpu.dma_semaphore, #tpu.memory_space<semaphore_mem>>
      tpu.enqueue_dma source(%arg4 : memref<200x64xf32, #tpu.memory_space<hbm>>) target(%arg6 : memref<200x64xf32, #tpu.memory_space<vmem>>) target_semaphore(%run_scoped3A : memref<!tpu.dma_semaphore, #tpu.memory_space<semaphore_mem>>)
      tpu.wait_dma2 semaphore(%run_scoped3A : memref<!tpu.dma_semaphore, #tpu.memory_space<semaphore_mem>>) src(%arg4 : memref<200x64xf32, #tpu.memory_space<hbm>>) dst(%arg6 : memref<200x64xf32, #tpu.memory_space<vmem>>)
      tpu.yield
    }) : () -> ()
    %dma_wait3A = arith.constant 0 : i32
    %dma_wait3A_10 = tpu.memref_slice %arg2[%dma_wait3A] : memref<819200xi32, #tpu.memory_space<hbm>> -> memref<200xi32, #tpu.memory_space<hbm>>
    %dma_wait3A_11 = arith.constant 0 : i32
    %dma_wait3A_12 = tpu.memref_slice %arg2[%dma_wait3A_11] : memref<819200xi32, #tpu.memory_space<hbm>> -> memref<200xi32, #tpu.memory_space<hbm>>
    tpu.wait_dma2 semaphore(%arg11 : memref<!tpu.dma_semaphore, #tpu.memory_space<semaphore_mem>>) src(%dma_wait3A_12 : memref<200xi32, #tpu.memory_space<hbm>>) dst(%arg7 : memref<200xi32, #tpu.memory_space<vmem>>)
    %dma_start3A_13 = arith.constant 0 : i32
    %dma_start3A_14 = arith.constant 0 : i32
    %dma_start3A_15 = tpu.memref_slice %arg3[%dma_start3A_13, %dma_start3A_14] : memref<1000000x64xf32, #tpu.memory_space<hbm>> -> memref<1000000x64xf32, #tpu.memory_space<hbm>>
    tpu.enqueue_indirect_dma source(%dma_start3A_15 : memref<1000000x64xf32, #tpu.memory_space<hbm>>) target(%arg9 : memref<200x64xf32, #tpu.memory_space<vmem>>) offsets(%arg7 : memref<200xi32, #tpu.memory_space<vmem>>) semaphore(%arg13 : memref<!tpu.dma_semaphore, #tpu.memory_space<semaphore_mem>>)
    %dma_wait3A_16 = arith.constant 0 : i32
    %dma_wait3A_17 = tpu.memref_slice %arg2[%dma_wait3A_16] : memref<819200xi32, #tpu.memory_space<hbm>> -> memref<200xi32, #tpu.memory_space<hbm>>
    %dma_wait3A_18 = arith.constant 0 : i32
    %dma_wait3A_19 = tpu.memref_slice %arg2[%dma_wait3A_18] : memref<819200xi32, #tpu.memory_space<hbm>> -> memref<200xi32, #tpu.memory_space<hbm>>
    tpu.wait_dma2 semaphore(%arg12 : memref<!tpu.dma_semaphore, #tpu.memory_space<semaphore_mem>>) src(%dma_wait3A_19 : memref<200xi32, #tpu.memory_space<hbm>>) dst(%arg8 : memref<200xi32, #tpu.memory_space<vmem>>)
    %dma_start3A_20 = arith.constant 0 : i32
    %dma_start3A_21 = arith.constant 0 : i32
    %dma_start3A_22 = tpu.memref_slice %arg3[%dma_start3A_20, %dma_start3A_21] : memref<1000000x64xf32, #tpu.memory_space<hbm>> -> memref<1000000x64xf32, #tpu.memory_space<hbm>>
    tpu.enqueue_indirect_dma source(%dma_start3A_22 : memref<1000000x64xf32, #tpu.memory_space<hbm>>) target(%arg10 : memref<200x64xf32, #tpu.memory_space<vmem>>) offsets(%arg8 : memref<200xi32, #tpu.memory_space<vmem>>) semaphore(%arg14 : memref<!tpu.dma_semaphore, #tpu.memory_space<semaphore_mem>>)
    %dma_wait3A_23 = arith.constant 0 : i32
    %dma_wait3A_24 = arith.constant 0 : i32
    %dma_wait3A_25 = tpu.memref_slice %arg3[%dma_wait3A_23, %dma_wait3A_24] : memref<1000000x64xf32, #tpu.memory_space<hbm>> -> memref<1000000x64xf32, #tpu.memory_space<hbm>>
    tpu.wait_indirect_dma semaphore(%arg13 : memref<!tpu.dma_semaphore, #tpu.memory_space<semaphore_mem>>) src(%dma_wait3A_25 : memref<1000000x64xf32, #tpu.memory_space<hbm>>) dst(%arg9 : memref<200x64xf32, #tpu.memory_space<vmem>>)
    %add3A_26 = arith.constant 400 : i32
    %add3A_27 = arith.addi %mul3A_2, %add3A_26 : i32
    %dma_start3A_28 = tpu.memref_slice %arg2[%add3A_27] : memref<819200xi32, #tpu.memory_space<hbm>> -> memref<200xi32, #tpu.memory_space<hbm>>
    %dma_start3A_29 = tpu.memref_slice %arg2[%add3A_27] : memref<819200xi32, #tpu.memory_space<hbm>> -> memref<200xi32, #tpu.memory_space<hbm>>
    tpu.enqueue_dma source(%dma_start3A_29 : memref<200xi32, #tpu.memory_space<hbm>>) target(%arg7 : memref<200xi32, #tpu.memory_space<vmem>>) target_semaphore(%arg11 : memref<!tpu.dma_semaphore, #tpu.memory_space<semaphore_mem>>)
    %scan3A = arith.constant 0 : i32
    %scan3A_30 = arith.constant 0 : i32
    %scan3A_31 = arith.constant 200 : i32
    %scan3A_32 = arith.addi %scan3A_30, %scan3A_31 : i32
    %scan3A_33 = arith.constant 2 : i32
    scf.for %scan3A_134 = %scan3A_30 to %scan3A_32 step %scan3A_33  : i32 {
      %get3A = arith.index_cast %scan3A_134 : i32 to index
      %get3A_135 = arith.constant 0 : index
      %get3A_136 = tpu.vector_load %arg9[%get3A, %get3A_135] {strides = array<i32>} : memref<200x64xf32, #tpu.memory_space<vmem>>, vector<1x16xf32>,
      %get3A_137 = vector.shape_cast %get3A_136 : vector<1x16xf32> to vector<16xf32>
      %get3A_138 = arith.index_cast %scan3A_134 : i32 to index
      %get3A_139 = arith.constant 0 : index
      %get3A_140 = tpu.vector_load %arg6[%get3A_138, %get3A_139] {strides = array<i32>} : memref<200x64xf32, #tpu.memory_space<vmem>>, vector<1x16xf32>,
      %get3A_141 = vector.shape_cast %get3A_140 : vector<1x16xf32> to vector<16xf32>
      %add3A_142 = arith.addf %get3A_137, %get3A_141 : vector<16xf32>
      %swap3A = arith.index_cast %scan3A_134 : i32 to index
      %swap3A_143 = arith.constant 0 : index
      %swap3A_144 = tpu.vector_load %arg9[%swap3A, %swap3A_143] {strides = array<i32>} : memref<200x64xf32, #tpu.memory_space<vmem>>, vector<1x16xf32>,
      %swap3A_145 = vector.shape_cast %swap3A_144 : vector<1x16xf32> to vector<16xf32>
      %swap3A_146 = vector.shape_cast %add3A_142 : vector<16xf32> to vector<1x16xf32>
      tpu.vector_store %arg9[%swap3A, %swap3A_143], %swap3A_146 {strides = array<i32>} : memref<200x64xf32, #tpu.memory_space<vmem>>, vector<1x16xf32>,
      %get3A_147 = arith.index_cast %scan3A_134 : i32 to index
      %get3A_148 = arith.constant 16 : index
      %get3A_149 = tpu.vector_load %arg9[%get3A_147, %get3A_148] {strides = array<i32>} : memref<200x64xf32, #tpu.memory_space<vmem>>, vector<1x16xf32>,
      %get3A_150 = vector.shape_cast %get3A_149 : vector<1x16xf32> to vector<16xf32>
      %get3A_151 = arith.index_cast %scan3A_134 : i32 to index
      %get3A_152 = arith.constant 16 : index
      %get3A_153 = tpu.vector_load %arg6[%get3A_151, %get3A_152] {strides = array<i32>} : memref<200x64xf32, #tpu.memory_space<vmem>>, vector<1x16xf32>,
      %get3A_154 = vector.shape_cast %get3A_153 : vector<1x16xf32> to vector<16xf32>
      %add3A_155 = arith.addf %get3A_150, %get3A_154 : vector<16xf32>
      %swap3A_156 = arith.index_cast %scan3A_134 : i32 to index
      %swap3A_157 = arith.constant 16 : index
      %swap3A_158 = tpu.vector_load %arg9[%swap3A_156, %swap3A_157] {strides = array<i32>} : memref<200x64xf32, #tpu.memory_space<vmem>>, vector<1x16xf32>,
      %swap3A_159 = vector.shape_cast %swap3A_158 : vector<1x16xf32> to vector<16xf32>
      %swap3A_160 = vector.shape_cast %add3A_155 : vector<16xf32> to vector<1x16xf32>
      tpu.vector_store %arg9[%swap3A_156, %swap3A_157], %swap3A_160 {strides = array<i32>} : memref<200x64xf32, #tpu.memory_space<vmem>>, vector<1x16xf32>,
      %get3A_161 = arith.index_cast %scan3A_134 : i32 to index
      %get3A_162 = arith.constant 32 : index
      %get3A_163 = tpu.vector_load %arg9[%get3A_161, %get3A_162] {strides = array<i32>} : memref<200x64xf32, #tpu.memory_space<vmem>>, vector<1x16xf32>,
      %get3A_164 = vector.shape_cast %get3A_163 : vector<1x16xf32> to vector<16xf32>
      %get3A_165 = arith.index_cast %scan3A_134 : i32 to index
      %get3A_166 = arith.constant 32 : index
      %get3A_167 = tpu.vector_load %arg6[%get3A_165, %get3A_166] {strides = array<i32>} : memref<200x64xf32, #tpu.memory_space<vmem>>, vector<1x16xf32>,
      %get3A_168 = vector.shape_cast %get3A_167 : vector<1x16xf32> to vector<16xf32>
      %add3A_169 = arith.addf %get3A_164, %get3A_168 : vector<16xf32>
      %swap3A_170 = arith.index_cast %scan3A_134 : i32 to index
      %swap3A_171 = arith.constant 32 : index
      %swap3A_172 = tpu.vector_load %arg9[%swap3A_170, %swap3A_171] {strides = array<i32>} : memref<200x64xf32, #tpu.memory_space<vmem>>, vector<1x16xf32>,
      %swap3A_173 = vector.shape_cast %swap3A_172 : vector<1x16xf32> to vector<16xf32>
      %swap3A_174 = vector.shape_cast %add3A_169 : vector<16xf32> to vector<1x16xf32>
      tpu.vector_store %arg9[%swap3A_170, %swap3A_171], %swap3A_174 {strides = array<i32>} : memref<200x64xf32, #tpu.memory_space<vmem>>, vector<1x16xf32>,
      %get3A_175 = arith.index_cast %scan3A_134 : i32 to index
      %get3A_176 = arith.constant 48 : index
      %get3A_177 = tpu.vector_load %arg9[%get3A_175, %get3A_176] {strides = array<i32>} : memref<200x64xf32, #tpu.memory_space<vmem>>, vector<1x16xf32>,
      %get3A_178 = vector.shape_cast %get3A_177 : vector<1x16xf32> to vector<16xf32>
      %get3A_179 = arith.index_cast %scan3A_134 : i32 to index
      %get3A_180 = arith.constant 48 : index
      %get3A_181 = tpu.vector_load %arg6[%get3A_179, %get3A_180] {strides = array<i32>} : memref<200x64xf32, #tpu.memory_space<vmem>>, vector<1x16xf32>,
      %get3A_182 = vector.shape_cast %get3A_181 : vector<1x16xf32> to vector<16xf32>
      %add3A_183 = arith.addf %get3A_178, %get3A_182 : vector<16xf32>
      %swap3A_184 = arith.index_cast %scan3A_134 : i32 to index
      %swap3A_185 = arith.constant 48 : index
      %swap3A_186 = tpu.vector_load %arg9[%swap3A_184, %swap3A_185] {strides = array<i32>} : memref<200x64xf32, #tpu.memory_space<vmem>>, vector<1x16xf32>,
      %swap3A_187 = vector.shape_cast %swap3A_186 : vector<1x16xf32> to vector<16xf32>
      %swap3A_188 = vector.shape_cast %add3A_183 : vector<16xf32> to vector<1x16xf32>
      tpu.vector_store %arg9[%swap3A_184, %swap3A_185], %swap3A_188 {strides = array<i32>} : memref<200x64xf32, #tpu.memory_space<vmem>>, vector<1x16xf32>,
      %scan3A_189 = arith.constant 1 : i32
      %scan3A_190 = arith.addi %scan3A_134, %scan3A_189 : i32
      %get3A_191 = arith.index_cast %scan3A_190 : i32 to index
      %get3A_192 = arith.constant 0 : index
      %get3A_193 = tpu.vector_load %arg9[%get3A_191, %get3A_192] {strides = array<i32>} : memref<200x64xf32, #tpu.memory_space<vmem>>, vector<1x16xf32>,
      %get3A_194 = vector.shape_cast %get3A_193 : vector<1x16xf32> to vector<16xf32>
      %get3A_195 = arith.index_cast %scan3A_190 : i32 to index
      %get3A_196 = arith.constant 0 : index
      %get3A_197 = tpu.vector_load %arg6[%get3A_195, %get3A_196] {strides = array<i32>} : memref<200x64xf32, #tpu.memory_space<vmem>>, vector<1x16xf32>,
      %get3A_198 = vector.shape_cast %get3A_197 : vector<1x16xf32> to vector<16xf32>
      %add3A_199 = arith.addf %get3A_194, %get3A_198 : vector<16xf32>
      %swap3A_200 = arith.index_cast %scan3A_190 : i32 to index
      %swap3A_201 = arith.constant 0 : index
      %swap3A_202 = tpu.vector_load %arg9[%swap3A_200, %swap3A_201] {strides = array<i32>} : memref<200x64xf32, #tpu.memory_space<vmem>>, vector<1x16xf32>,
      %swap3A_203 = vector.shape_cast %swap3A_202 : vector<1x16xf32> to vector<16xf32>
      %swap3A_204 = vector.shape_cast %add3A_199 : vector<16xf32> to vector<1x16xf32>
      tpu.vector_store %arg9[%swap3A_200, %swap3A_201], %swap3A_204 {strides = array<i32>} : memref<200x64xf32, #tpu.memory_space<vmem>>, vector<1x16xf32>,
      %get3A_205 = arith.index_cast %scan3A_190 : i32 to index
      %get3A_206 = arith.constant 16 : index
      %get3A_207 = tpu.vector_load %arg9[%get3A_205, %get3A_206] {strides = array<i32>} : memref<200x64xf32, #tpu.memory_space<vmem>>, vector<1x16xf32>,
      %get3A_208 = vector.shape_cast %get3A_207 : vector<1x16xf32> to vector<16xf32>
      %get3A_209 = arith.index_cast %scan3A_190 : i32 to index
      %get3A_210 = arith.constant 16 : index
      %get3A_211 = tpu.vector_load %arg6[%get3A_209, %get3A_210] {strides = array<i32>} : memref<200x64xf32, #tpu.memory_space<vmem>>, vector<1x16xf32>,
      %get3A_212 = vector.shape_cast %get3A_211 : vector<1x16xf32> to vector<16xf32>
      %add3A_213 = arith.addf %get3A_208, %get3A_212 : vector<16xf32>
      %swap3A_214 = arith.index_cast %scan3A_190 : i32 to index
      %swap3A_215 = arith.constant 16 : index
      %swap3A_216 = tpu.vector_load %arg9[%swap3A_214, %swap3A_215] {strides = array<i32>} : memref<200x64xf32, #tpu.memory_space<vmem>>, vector<1x16xf32>,
      %swap3A_217 = vector.shape_cast %swap3A_216 : vector<1x16xf32> to vector<16xf32>
      %swap3A_218 = vector.shape_cast %add3A_213 : vector<16xf32> to vector<1x16xf32>
      tpu.vector_store %arg9[%swap3A_214, %swap3A_215], %swap3A_218 {strides = array<i32>} : memref<200x64xf32, #tpu.memory_space<vmem>>, vector<1x16xf32>,
      %get3A_219 = arith.index_cast %scan3A_190 : i32 to index
      %get3A_220 = arith.constant 32 : index
      %get3A_221 = tpu.vector_load %arg9[%get3A_219, %get3A_220] {strides = array<i32>} : memref<200x64xf32, #tpu.memory_space<vmem>>, vector<1x16xf32>,
      %get3A_222 = vector.shape_cast %get3A_221 : vector<1x16xf32> to vector<16xf32>
      %get3A_223 = arith.index_cast %scan3A_190 : i32 to index
      %get3A_224 = arith.constant 32 : index
      %get3A_225 = tpu.vector_load %arg6[%get3A_223, %get3A_224] {strides = array<i32>} : memref<200x64xf32, #tpu.memory_space<vmem>>, vector<1x16xf32>,
      %get3A_226 = vector.shape_cast %get3A_225 : vector<1x16xf32> to vector<16xf32>
      %add3A_227 = arith.addf %get3A_222, %get3A_226 : vector<16xf32>
      %swap3A_228 = arith.index_cast %scan3A_190 : i32 to index
      %swap3A_229 = arith.constant 32 : index
      %swap3A_230 = tpu.vector_load %arg9[%swap3A_228, %swap3A_229] {strides = array<i32>} : memref<200x64xf32, #tpu.memory_space<vmem>>, vector<1x16xf32>,
      %swap3A_231 = vector.shape_cast %swap3A_230 : vector<1x16xf32> to vector<16xf32>
      %swap3A_232 = vector.shape_cast %add3A_227 : vector<16xf32> to vector<1x16xf32>
      tpu.vector_store %arg9[%swap3A_228, %swap3A_229], %swap3A_232 {strides = array<i32>} : memref<200x64xf32, #tpu.memory_space<vmem>>, vector<1x16xf32>,
      %get3A_233 = arith.index_cast %scan3A_190 : i32 to index
      %get3A_234 = arith.constant 48 : index
      %get3A_235 = tpu.vector_load %arg9[%get3A_233, %get3A_234] {strides = array<i32>} : memref<200x64xf32, #tpu.memory_space<vmem>>, vector<1x16xf32>,
      %get3A_236 = vector.shape_cast %get3A_235 : vector<1x16xf32> to vector<16xf32>
      %get3A_237 = arith.index_cast %scan3A_190 : i32 to index
      %get3A_238 = arith.constant 48 : index
      %get3A_239 = tpu.vector_load %arg6[%get3A_237, %get3A_238] {strides = array<i32>} : memref<200x64xf32, #tpu.memory_space<vmem>>, vector<1x16xf32>,
      %get3A_240 = vector.shape_cast %get3A_239 : vector<1x16xf32> to vector<16xf32>
      %add3A_241 = arith.addf %get3A_236, %get3A_240 : vector<16xf32>
      %swap3A_242 = arith.index_cast %scan3A_190 : i32 to index
      %swap3A_243 = arith.constant 48 : index
      %swap3A_244 = tpu.vector_load %arg9[%swap3A_242, %swap3A_243] {strides = array<i32>} : memref<200x64xf32, #tpu.memory_space<vmem>>, vector<1x16xf32>,
      %swap3A_245 = vector.shape_cast %swap3A_244 : vector<1x16xf32> to vector<16xf32>
      %swap3A_246 = vector.shape_cast %add3A_241 : vector<16xf32> to vector<1x16xf32>
      tpu.vector_store %arg9[%swap3A_242, %swap3A_243], %swap3A_246 {strides = array<i32>} : memref<200x64xf32, #tpu.memory_space<vmem>>, vector<1x16xf32>,
    }
    %scan3A_34 = arith.constant 200 : i32
    %add3A_35 = arith.constant 0 : i32
    %add3A_36 = arith.addi %mul3A_2, %add3A_35 : i32
    %dma_start3A_37 = arith.constant 0 : i32
    %dma_start3A_38 = tpu.memref_slice %arg5[%add3A_36, %dma_start3A_37] : memref<819200x64xf32, #tpu.memory_space<hbm>> -> memref<200x64xf32, #tpu.memory_space<hbm>>
    %dma_start3A_39 = arith.constant 0 : i32
    %dma_start3A_40 = tpu.memref_slice %arg5[%add3A_36, %dma_start3A_39] : memref<819200x64xf32, #tpu.memory_space<hbm>> -> memref<200x64xf32, #tpu.memory_space<hbm>>
    tpu.enqueue_dma source(%arg9 : memref<200x64xf32, #tpu.memory_space<vmem>>) target(%dma_start3A_40 : memref<200x64xf32, #tpu.memory_space<hbm>>) target_semaphore(%arg15 : memref<!tpu.dma_semaphore, #tpu.memory_space<semaphore_mem>>)
    %dma_wait3A_41 = arith.constant 0 : i32
    %dma_wait3A_42 = tpu.memref_slice %arg2[%dma_wait3A_41] : memref<819200xi32, #tpu.memory_space<hbm>> -> memref<200xi32, #tpu.memory_space<hbm>>
    %dma_wait3A_43 = arith.constant 0 : i32
    %dma_wait3A_44 = tpu.memref_slice %arg2[%dma_wait3A_43] : memref<819200xi32, #tpu.memory_space<hbm>> -> memref<200xi32, #tpu.memory_space<hbm>>
    tpu.wait_dma2 semaphore(%arg11 : memref<!tpu.dma_semaphore, #tpu.memory_space<semaphore_mem>>) src(%dma_wait3A_44 : memref<200xi32, #tpu.memory_space<hbm>>) dst(%arg7 : memref<200xi32, #tpu.memory_space<vmem>>)
    %dma_wait3A_45 = arith.constant 0 : i32
    %dma_wait3A_46 = arith.constant 0 : i32
    %dma_wait3A_47 = tpu.memref_slice %arg5[%dma_wait3A_45, %dma_wait3A_46] : memref<819200x64xf32, #tpu.memory_space<hbm>> -> memref<200x64xf32, #tpu.memory_space<hbm>>
    %dma_wait3A_48 = arith.constant 0 : i32
    %dma_wait3A_49 = arith.constant 0 : i32
    %dma_wait3A_50 = tpu.memref_slice %arg5[%dma_wait3A_48, %dma_wait3A_49] : memref<819200x64xf32, #tpu.memory_space<hbm>> -> memref<200x64xf32, #tpu.memory_space<hbm>>
    tpu.wait_dma2 semaphore(%arg15 : memref<!tpu.dma_semaphore, #tpu.memory_space<semaphore_mem>>) src(%arg9 : memref<200x64xf32, #tpu.memory_space<vmem>>) dst(%dma_wait3A_50 : memref<200x64xf32, #tpu.memory_space<hbm>>)
    %dma_start3A_51 = arith.constant 0 : i32
    %dma_start3A_52 = arith.constant 0 : i32
    %dma_start3A_53 = tpu.memref_slice %arg3[%dma_start3A_51, %dma_start3A_52] : memref<1000000x64xf32, #tpu.memory_space<hbm>> -> memref<1000000x64xf32, #tpu.memory_space<hbm>>
    tpu.enqueue_indirect_dma source(%dma_start3A_53 : memref<1000000x64xf32, #tpu.memory_space<hbm>>) target(%arg9 : memref<200x64xf32, #tpu.memory_space<vmem>>) offsets(%arg7 : memref<200xi32, #tpu.memory_space<vmem>>) semaphore(%arg13 : memref<!tpu.dma_semaphore, #tpu.memory_space<semaphore_mem>>)
    %dma_wait3A_54 = arith.constant 0 : i32
    %dma_wait3A_55 = arith.constant 0 : i32
    %dma_wait3A_56 = tpu.memref_slice %arg3[%dma_wait3A_54, %dma_wait3A_55] : memref<1000000x64xf32, #tpu.memory_space<hbm>> -> memref<1000000x64xf32, #tpu.memory_space<hbm>>
    tpu.wait_indirect_dma semaphore(%arg14 : memref<!tpu.dma_semaphore, #tpu.memory_space<semaphore_mem>>) src(%dma_wait3A_56 : memref<1000000x64xf32, #tpu.memory_space<hbm>>) dst(%arg10 : memref<200x64xf32, #tpu.memory_space<vmem>>)
    %add3A_57 = arith.constant 600 : i32
    %add3A_58 = arith.addi %mul3A_2, %add3A_57 : i32
    %dma_start3A_59 = tpu.memref_slice %arg2[%add3A_58] : memref<819200xi32, #tpu.memory_space<hbm>> -> memref<200xi32, #tpu.memory_space<hbm>>
    %dma_start3A_60 = tpu.memref_slice %arg2[%add3A_58] : memref<819200xi32, #tpu.memory_space<hbm>> -> memref<200xi32, #tpu.memory_space<hbm>>
    tpu.enqueue_dma source(%dma_start3A_60 : memref<200xi32, #tpu.memory_space<hbm>>) target(%arg8 : memref<200xi32, #tpu.memory_space<vmem>>) target_semaphore(%arg12 : memref<!tpu.dma_semaphore, #tpu.memory_space<semaphore_mem>>)
    %scan3A_61 = arith.constant 0 : i32
    %scan3A_62 = arith.constant 0 : i32
    %scan3A_63 = arith.constant 200 : i32
    %scan3A_64 = arith.addi %scan3A_62, %scan3A_63 : i32
    %scan3A_65 = arith.constant 2 : i32
    scf.for %scan3A_134 = %scan3A_62 to %scan3A_64 step %scan3A_65  : i32 {
      %get3A = arith.index_cast %scan3A_134 : i32 to index
      %get3A_135 = arith.constant 0 : index
      %get3A_136 = tpu.vector_load %arg10[%get3A, %get3A_135] {strides = array<i32>} : memref<200x64xf32, #tpu.memory_space<vmem>>, vector<1x16xf32>,
      %get3A_137 = vector.shape_cast %get3A_136 : vector<1x16xf32> to vector<16xf32>
      %get3A_138 = arith.index_cast %scan3A_134 : i32 to index
      %get3A_139 = arith.constant 0 : index
      %get3A_140 = tpu.vector_load %arg6[%get3A_138, %get3A_139] {strides = array<i32>} : memref<200x64xf32, #tpu.memory_space<vmem>>, vector<1x16xf32>,
      %get3A_141 = vector.shape_cast %get3A_140 : vector<1x16xf32> to vector<16xf32>
      %add3A_142 = arith.addf %get3A_137, %get3A_141 : vector<16xf32>
      %swap3A = arith.index_cast %scan3A_134 : i32 to index
      %swap3A_143 = arith.constant 0 : index
      %swap3A_144 = tpu.vector_load %arg10[%swap3A, %swap3A_143] {strides = array<i32>} : memref<200x64xf32, #tpu.memory_space<vmem>>, vector<1x16xf32>,
      %swap3A_145 = vector.shape_cast %swap3A_144 : vector<1x16xf32> to vector<16xf32>
      %swap3A_146 = vector.shape_cast %add3A_142 : vector<16xf32> to vector<1x16xf32>
      tpu.vector_store %arg10[%swap3A, %swap3A_143], %swap3A_146 {strides = array<i32>} : memref<200x64xf32, #tpu.memory_space<vmem>>, vector<1x16xf32>,
      %get3A_147 = arith.index_cast %scan3A_134 : i32 to index
      %get3A_148 = arith.constant 16 : index
      %get3A_149 = tpu.vector_load %arg10[%get3A_147, %get3A_148] {strides = array<i32>} : memref<200x64xf32, #tpu.memory_space<vmem>>, vector<1x16xf32>,
      %get3A_150 = vector.shape_cast %get3A_149 : vector<1x16xf32> to vector<16xf32>
      %get3A_151 = arith.index_cast %scan3A_134 : i32 to index
      %get3A_152 = arith.constant 16 : index
      %get3A_153 = tpu.vector_load %arg6[%get3A_151, %get3A_152] {strides = array<i32>} : memref<200x64xf32, #tpu.memory_space<vmem>>, vector<1x16xf32>,
      %get3A_154 = vector.shape_cast %get3A_153 : vector<1x16xf32> to vector<16xf32>
      %add3A_155 = arith.addf %get3A_150, %get3A_154 : vector<16xf32>
      %swap3A_156 = arith.index_cast %scan3A_134 : i32 to index
      %swap3A_157 = arith.constant 16 : index
      %swap3A_158 = tpu.vector_load %arg10[%swap3A_156, %swap3A_157] {strides = array<i32>} : memref<200x64xf32, #tpu.memory_space<vmem>>, vector<1x16xf32>,
      %swap3A_159 = vector.shape_cast %swap3A_158 : vector<1x16xf32> to vector<16xf32>
      %swap3A_160 = vector.shape_cast %add3A_155 : vector<16xf32> to vector<1x16xf32>
      tpu.vector_store %arg10[%swap3A_156, %swap3A_157], %swap3A_160 {strides = array<i32>} : memref<200x64xf32, #tpu.memory_space<vmem>>, vector<1x16xf32>,
      %get3A_161 = arith.index_cast %scan3A_134 : i32 to index
      %get3A_162 = arith.constant 32 : index
      %get3A_163 = tpu.vector_load %arg10[%get3A_161, %get3A_162] {strides = array<i32>} : memref<200x64xf32, #tpu.memory_space<vmem>>, vector<1x16xf32>,
      %get3A_164 = vector.shape_cast %get3A_163 : vector<1x16xf32> to vector<16xf32>
      %get3A_165 = arith.index_cast %scan3A_134 : i32 to index
      %get3A_166 = arith.constant 32 : index
      %get3A_167 = tpu.vector_load %arg6[%get3A_165, %get3A_166] {strides = array<i32>} : memref<200x64xf32, #tpu.memory_space<vmem>>, vector<1x16xf32>,
      %get3A_168 = vector.shape_cast %get3A_167 : vector<1x16xf32> to vector<16xf32>
      %add3A_169 = arith.addf %get3A_164, %get3A_168 : vector<16xf32>
      %swap3A_170 = arith.index_cast %scan3A_134 : i32 to index
      %swap3A_171 = arith.constant 32 : index
      %swap3A_172 = tpu.vector_load %arg10[%swap3A_170, %swap3A_171] {strides = array<i32>} : memref<200x64xf32, #tpu.memory_space<vmem>>, vector<1x16xf32>,
      %swap3A_173 = vector.shape_cast %swap3A_172 : vector<1x16xf32> to vector<16xf32>
      %swap3A_174 = vector.shape_cast %add3A_169 : vector<16xf32> to vector<1x16xf32>
      tpu.vector_store %arg10[%swap3A_170, %swap3A_171], %swap3A_174 {strides = array<i32>} : memref<200x64xf32, #tpu.memory_space<vmem>>, vector<1x16xf32>,
      %get3A_175 = arith.index_cast %scan3A_134 : i32 to index
      %get3A_176 = arith.constant 48 : index
      %get3A_177 = tpu.vector_load %arg10[%get3A_175, %get3A_176] {strides = array<i32>} : memref<200x64xf32, #tpu.memory_space<vmem>>, vector<1x16xf32>,
      %get3A_178 = vector.shape_cast %get3A_177 : vector<1x16xf32> to vector<16xf32>
      %get3A_179 = arith.index_cast %scan3A_134 : i32 to index
      %get3A_180 = arith.constant 48 : index
      %get3A_181 = tpu.vector_load %arg6[%get3A_179, %get3A_180] {strides = array<i32>} : memref<200x64xf32, #tpu.memory_space<vmem>>, vector<1x16xf32>,
      %get3A_182 = vector.shape_cast %get3A_181 : vector<1x16xf32> to vector<16xf32>
      %add3A_183 = arith.addf %get3A_178, %get3A_182 : vector<16xf32>
      %swap3A_184 = arith.index_cast %scan3A_134 : i32 to index
      %swap3A_185 = arith.constant 48 : index
      %swap3A_186 = tpu.vector_load %arg10[%swap3A_184, %swap3A_185] {strides = array<i32>} : memref<200x64xf32, #tpu.memory_space<vmem>>, vector<1x16xf32>,
      %swap3A_187 = vector.shape_cast %swap3A_186 : vector<1x16xf32> to vector<16xf32>
      %swap3A_188 = vector.shape_cast %add3A_183 : vector<16xf32> to vector<1x16xf32>
      tpu.vector_store %arg10[%swap3A_184, %swap3A_185], %swap3A_188 {strides = array<i32>} : memref<200x64xf32, #tpu.memory_space<vmem>>, vector<1x16xf32>,
      %scan3A_189 = arith.constant 1 : i32
      %scan3A_190 = arith.addi %scan3A_134, %scan3A_189 : i32
      %get3A_191 = arith.index_cast %scan3A_190 : i32 to index
      %get3A_192 = arith.constant 0 : index
      %get3A_193 = tpu.vector_load %arg10[%get3A_191, %get3A_192] {strides = array<i32>} : memref<200x64xf32, #tpu.memory_space<vmem>>, vector<1x16xf32>,
      %get3A_194 = vector.shape_cast %get3A_193 : vector<1x16xf32> to vector<16xf32>
      %get3A_195 = arith.index_cast %scan3A_190 : i32 to index
      %get3A_196 = arith.constant 0 : index
      %get3A_197 = tpu.vector_load %arg6[%get3A_195, %get3A_196] {strides = array<i32>} : memref<200x64xf32, #tpu.memory_space<vmem>>, vector<1x16xf32>,
      %get3A_198 = vector.shape_cast %get3A_197 : vector<1x16xf32> to vector<16xf32>
      %add3A_199 = arith.addf %get3A_194, %get3A_198 : vector<16xf32>
      %swap3A_200 = arith.index_cast %scan3A_190 : i32 to index
      %swap3A_201 = arith.constant 0 : index
      %swap3A_202 = tpu.vector_load %arg10[%swap3A_200, %swap3A_201] {strides = array<i32>} : memref<200x64xf32, #tpu.memory_space<vmem>>, vector<1x16xf32>,
      %swap3A_203 = vector.shape_cast %swap3A_202 : vector<1x16xf32> to vector<16xf32>
      %swap3A_204 = vector.shape_cast %add3A_199 : vector<16xf32> to vector<1x16xf32>
      tpu.vector_store %arg10[%swap3A_200, %swap3A_201], %swap3A_204 {strides = array<i32>} : memref<200x64xf32, #tpu.memory_space<vmem>>, vector<1x16xf32>,
      %get3A_205 = arith.index_cast %scan3A_190 : i32 to index
      %get3A_206 = arith.constant 16 : index
      %get3A_207 = tpu.vector_load %arg10[%get3A_205, %get3A_206] {strides = array<i32>} : memref<200x64xf32, #tpu.memory_space<vmem>>, vector<1x16xf32>,
      %get3A_208 = vector.shape_cast %get3A_207 : vector<1x16xf32> to vector<16xf32>
      %get3A_209 = arith.index_cast %scan3A_190 : i32 to index
      %get3A_210 = arith.constant 16 : index
      %get3A_211 = tpu.vector_load %arg6[%get3A_209, %get3A_210] {strides = array<i32>} : memref<200x64xf32, #tpu.memory_space<vmem>>, vector<1x16xf32>,
      %get3A_212 = vector.shape_cast %get3A_211 : vector<1x16xf32> to vector<16xf32>
      %add3A_213 = arith.addf %get3A_208, %get3A_212 : vector<16xf32>
      %swap3A_214 = arith.index_cast %scan3A_190 : i32 to index
      %swap3A_215 = arith.constant 16 : index
      %swap3A_216 = tpu.vector_load %arg10[%swap3A_214, %swap3A_215] {strides = array<i32>} : memref<200x64xf32, #tpu.memory_space<vmem>>, vector<1x16xf32>,
      %swap3A_217 = vector.shape_cast %swap3A_216 : vector<1x16xf32> to vector<16xf32>
      %swap3A_218 = vector.shape_cast %add3A_213 : vector<16xf32> to vector<1x16xf32>
      tpu.vector_store %arg10[%swap3A_214, %swap3A_215], %swap3A_218 {strides = array<i32>} : memref<200x64xf32, #tpu.memory_space<vmem>>, vector<1x16xf32>,
      %get3A_219 = arith.index_cast %scan3A_190 : i32 to index
      %get3A_220 = arith.constant 32 : index
      %get3A_221 = tpu.vector_load %arg10[%get3A_219, %get3A_220] {strides = array<i32>} : memref<200x64xf32, #tpu.memory_space<vmem>>, vector<1x16xf32>,
      %get3A_222 = vector.shape_cast %get3A_221 : vector<1x16xf32> to vector<16xf32>
      %get3A_223 = arith.index_cast %scan3A_190 : i32 to index
      %get3A_224 = arith.constant 32 : index
      %get3A_225 = tpu.vector_load %arg6[%get3A_223, %get3A_224] {strides = array<i32>} : memref<200x64xf32, #tpu.memory_space<vmem>>, vector<1x16xf32>,
      %get3A_226 = vector.shape_cast %get3A_225 : vector<1x16xf32> to vector<16xf32>
      %add3A_227 = arith.addf %get3A_222, %get3A_226 : vector<16xf32>
      %swap3A_228 = arith.index_cast %scan3A_190 : i32 to index
      %swap3A_229 = arith.constant 32 : index
      %swap3A_230 = tpu.vector_load %arg10[%swap3A_228, %swap3A_229] {strides = array<i32>} : memref<200x64xf32, #tpu.memory_space<vmem>>, vector<1x16xf32>,
      %swap3A_231 = vector.shape_cast %swap3A_230 : vector<1x16xf32> to vector<16xf32>
      %swap3A_232 = vector.shape_cast %add3A_227 : vector<16xf32> to vector<1x16xf32>
      tpu.vector_store %arg10[%swap3A_228, %swap3A_229], %swap3A_232 {strides = array<i32>} : memref<200x64xf32, #tpu.memory_space<vmem>>, vector<1x16xf32>,
      %get3A_233 = arith.index_cast %scan3A_190 : i32 to index
      %get3A_234 = arith.constant 48 : index
      %get3A_235 = tpu.vector_load %arg10[%get3A_233, %get3A_234] {strides = array<i32>} : memref<200x64xf32, #tpu.memory_space<vmem>>, vector<1x16xf32>,
      %get3A_236 = vector.shape_cast %get3A_235 : vector<1x16xf32> to vector<16xf32>
      %get3A_237 = arith.index_cast %scan3A_190 : i32 to index
      %get3A_238 = arith.constant 48 : index
      %get3A_239 = tpu.vector_load %arg6[%get3A_237, %get3A_238] {strides = array<i32>} : memref<200x64xf32, #tpu.memory_space<vmem>>, vector<1x16xf32>,
      %get3A_240 = vector.shape_cast %get3A_239 : vector<1x16xf32> to vector<16xf32>
      %add3A_241 = arith.addf %get3A_236, %get3A_240 : vector<16xf32>
      %swap3A_242 = arith.index_cast %scan3A_190 : i32 to index
      %swap3A_243 = arith.constant 48 : index
      %swap3A_244 = tpu.vector_load %arg10[%swap3A_242, %swap3A_243] {strides = array<i32>} : memref<200x64xf32, #tpu.memory_space<vmem>>, vector<1x16xf32>,
      %swap3A_245 = vector.shape_cast %swap3A_244 : vector<1x16xf32> to vector<16xf32>
      %swap3A_246 = vector.shape_cast %add3A_241 : vector<16xf32> to vector<1x16xf32>
      tpu.vector_store %arg10[%swap3A_242, %swap3A_243], %swap3A_246 {strides = array<i32>} : memref<200x64xf32, #tpu.memory_space<vmem>>, vector<1x16xf32>,
    }
    %scan3A_66 = arith.constant 200 : i32
    %add3A_67 = arith.constant 200 : i32
    %add3A_68 = arith.addi %mul3A_2, %add3A_67 : i32
    %dma_start3A_69 = arith.constant 0 : i32
    %dma_start3A_70 = tpu.memref_slice %arg5[%add3A_68, %dma_start3A_69] : memref<819200x64xf32, #tpu.memory_space<hbm>> -> memref<200x64xf32, #tpu.memory_space<hbm>>
    %dma_start3A_71 = arith.constant 0 : i32
    %dma_start3A_72 = tpu.memref_slice %arg5[%add3A_68, %dma_start3A_71] : memref<819200x64xf32, #tpu.memory_space<hbm>> -> memref<200x64xf32, #tpu.memory_space<hbm>>
    tpu.enqueue_dma source(%arg10 : memref<200x64xf32, #tpu.memory_space<vmem>>) target(%dma_start3A_72 : memref<200x64xf32, #tpu.memory_space<hbm>>) target_semaphore(%arg16 : memref<!tpu.dma_semaphore, #tpu.memory_space<semaphore_mem>>)
    %scan3A_73 = arith.constant 0 : i32
    %scan3A_74 = arith.constant 0 : i32
    %scan3A_75 = arith.constant 62 : i32
    %scan3A_76 = arith.addi %scan3A_74, %scan3A_75 : i32
    %scan3A_77 = arith.constant 1 : i32
    scf.for %scan3A_134 = %scan3A_74 to %scan3A_76 step %scan3A_77  : i32 {
      %mul3A_135 = arith.constant 2 : i32
      %mul3A_136 = arith.muli %mul3A_135, %scan3A_134 : i32
      %add3A_137 = arith.constant 2 : i32
      %add3A_138 = arith.addi %add3A_137, %mul3A_136 : i32
      %dma_wait3A_139 = arith.constant 0 : i32
      %dma_wait3A_140 = tpu.memref_slice %arg2[%dma_wait3A_139] : memref<819200xi32, #tpu.memory_space<hbm>> -> memref<200xi32, #tpu.memory_space<hbm>>
      %dma_wait3A_141 = arith.constant 0 : i32
      %dma_wait3A_142 = tpu.memref_slice %arg2[%dma_wait3A_141] : memref<819200xi32, #tpu.memory_space<hbm>> -> memref<200xi32, #tpu.memory_space<hbm>>
      tpu.wait_dma2 semaphore(%arg12 : memref<!tpu.dma_semaphore, #tpu.memory_space<semaphore_mem>>) src(%dma_wait3A_142 : memref<200xi32, #tpu.memory_space<hbm>>) dst(%arg8 : memref<200xi32, #tpu.memory_space<vmem>>)
      %dma_wait3A_143 = arith.constant 0 : i32
      %dma_wait3A_144 = arith.constant 0 : i32
      %dma_wait3A_145 = tpu.memref_slice %arg5[%dma_wait3A_143, %dma_wait3A_144] : memref<819200x64xf32, #tpu.memory_space<hbm>> -> memref<200x64xf32, #tpu.memory_space<hbm>>
      %dma_wait3A_146 = arith.constant 0 : i32
      %dma_wait3A_147 = arith.constant 0 : i32
      %dma_wait3A_148 = tpu.memref_slice %arg5[%dma_wait3A_146, %dma_wait3A_147] : memref<819200x64xf32, #tpu.memory_space<hbm>> -> memref<200x64xf32, #tpu.memory_space<hbm>>
      tpu.wait_dma2 semaphore(%arg16 : memref<!tpu.dma_semaphore, #tpu.memory_space<semaphore_mem>>) src(%arg10 : memref<200x64xf32, #tpu.memory_space<vmem>>) dst(%dma_wait3A_148 : memref<200x64xf32, #tpu.memory_space<hbm>>)
      %dma_start3A_149 = arith.constant 0 : i32
      %dma_start3A_150 = arith.constant 0 : i32
      %dma_start3A_151 = tpu.memref_slice %arg3[%dma_start3A_149, %dma_start3A_150] : memref<1000000x64xf32, #tpu.memory_space<hbm>> -> memref<1000000x64xf32, #tpu.memory_space<hbm>>
      tpu.enqueue_indirect_dma source(%dma_start3A_151 : memref<1000000x64xf32, #tpu.memory_space<hbm>>) target(%arg10 : memref<200x64xf32, #tpu.memory_space<vmem>>) offsets(%arg8 : memref<200xi32, #tpu.memory_space<vmem>>) semaphore(%arg14 : memref<!tpu.dma_semaphore, #tpu.memory_space<semaphore_mem>>)
      %dma_wait3A_152 = arith.constant 0 : i32
      %dma_wait3A_153 = arith.constant 0 : i32
      %dma_wait3A_154 = tpu.memref_slice %arg3[%dma_wait3A_152, %dma_wait3A_153] : memref<1000000x64xf32, #tpu.memory_space<hbm>> -> memref<1000000x64xf32, #tpu.memory_space<hbm>>
      tpu.wait_indirect_dma semaphore(%arg13 : memref<!tpu.dma_semaphore, #tpu.memory_space<semaphore_mem>>) src(%dma_wait3A_154 : memref<1000000x64xf32, #tpu.memory_space<hbm>>) dst(%arg9 : memref<200x64xf32, #tpu.memory_space<vmem>>)
      %add3A_155 = arith.constant 2 : i32
      %add3A_156 = arith.addi %add3A_138, %add3A_155 : i32
      %mul3A_157 = arith.constant 200 : i32
      %mul3A_158 = arith.muli %add3A_156, %mul3A_157 : i32
      %add3A_159 = arith.addi %mul3A_2, %mul3A_158 : i32
      %dma_start3A_160 = tpu.memref_slice %arg2[%add3A_159] : memref<819200xi32, #tpu.memory_space<hbm>> -> memref<200xi32, #tpu.memory_space<hbm>>
      %dma_start3A_161 = tpu.memref_slice %arg2[%add3A_159] : memref<819200xi32, #tpu.memory_space<hbm>> -> memref<200xi32, #tpu.memory_space<hbm>>
      tpu.enqueue_dma source(%dma_start3A_161 : memref<200xi32, #tpu.memory_space<hbm>>) target(%arg7 : memref<200xi32, #tpu.memory_space<vmem>>) target_semaphore(%arg11 : memref<!tpu.dma_semaphore, #tpu.memory_space<semaphore_mem>>)
      %scan3A_162 = arith.constant 0 : i32
      %scan3A_163 = arith.constant 0 : i32
      %scan3A_164 = arith.constant 200 : i32
      %scan3A_165 = arith.addi %scan3A_163, %scan3A_164 : i32
      %scan3A_166 = arith.constant 2 : i32
      scf.for %scan3A_213 = %scan3A_163 to %scan3A_165 step %scan3A_166  : i32 {
        %get3A = arith.index_cast %scan3A_213 : i32 to index
        %get3A_214 = arith.constant 0 : index
        %get3A_215 = tpu.vector_load %arg9[%get3A, %get3A_214] {strides = array<i32>} : memref<200x64xf32, #tpu.memory_space<vmem>>, vector<1x16xf32>,
        %get3A_216 = vector.shape_cast %get3A_215 : vector<1x16xf32> to vector<16xf32>
        %get3A_217 = arith.index_cast %scan3A_213 : i32 to index
        %get3A_218 = arith.constant 0 : index
        %get3A_219 = tpu.vector_load %arg6[%get3A_217, %get3A_218] {strides = array<i32>} : memref<200x64xf32, #tpu.memory_space<vmem>>, vector<1x16xf32>,
        %get3A_220 = vector.shape_cast %get3A_219 : vector<1x16xf32> to vector<16xf32>
        %add3A_221 = arith.addf %get3A_216, %get3A_220 : vector<16xf32>
        %swap3A = arith.index_cast %scan3A_213 : i32 to index
        %swap3A_222 = arith.constant 0 : index
        %swap3A_223 = tpu.vector_load %arg9[%swap3A, %swap3A_222] {strides = array<i32>} : memref<200x64xf32, #tpu.memory_space<vmem>>, vector<1x16xf32>,
        %swap3A_224 = vector.shape_cast %swap3A_223 : vector<1x16xf32> to vector<16xf32>
        %swap3A_225 = vector.shape_cast %add3A_221 : vector<16xf32> to vector<1x16xf32>
        tpu.vector_store %arg9[%swap3A, %swap3A_222], %swap3A_225 {strides = array<i32>} : memref<200x64xf32, #tpu.memory_space<vmem>>, vector<1x16xf32>,
        %get3A_226 = arith.index_cast %scan3A_213 : i32 to index
        %get3A_227 = arith.constant 16 : index
        %get3A_228 = tpu.vector_load %arg9[%get3A_226, %get3A_227] {strides = array<i32>} : memref<200x64xf32, #tpu.memory_space<vmem>>, vector<1x16xf32>,
        %get3A_229 = vector.shape_cast %get3A_228 : vector<1x16xf32> to vector<16xf32>
        %get3A_230 = arith.index_cast %scan3A_213 : i32 to index
        %get3A_231 = arith.constant 16 : index
        %get3A_232 = tpu.vector_load %arg6[%get3A_230, %get3A_231] {strides = array<i32>} : memref<200x64xf32, #tpu.memory_space<vmem>>, vector<1x16xf32>,
        %get3A_233 = vector.shape_cast %get3A_232 : vector<1x16xf32> to vector<16xf32>
        %add3A_234 = arith.addf %get3A_229, %get3A_233 : vector<16xf32>
        %swap3A_235 = arith.index_cast %scan3A_213 : i32 to index
        %swap3A_236 = arith.constant 16 : index
        %swap3A_237 = tpu.vector_load %arg9[%swap3A_235, %swap3A_236] {strides = array<i32>} : memref<200x64xf32, #tpu.memory_space<vmem>>, vector<1x16xf32>,
        %swap3A_238 = vector.shape_cast %swap3A_237 : vector<1x16xf32> to vector<16xf32>
        %swap3A_239 = vector.shape_cast %add3A_234 : vector<16xf32> to vector<1x16xf32>
        tpu.vector_store %arg9[%swap3A_235, %swap3A_236], %swap3A_239 {strides = array<i32>} : memref<200x64xf32, #tpu.memory_space<vmem>>, vector<1x16xf32>,
        %get3A_240 = arith.index_cast %scan3A_213 : i32 to index
        %get3A_241 = arith.constant 32 : index
        %get3A_242 = tpu.vector_load %arg9[%get3A_240, %get3A_241] {strides = array<i32>} : memref<200x64xf32, #tpu.memory_space<vmem>>, vector<1x16xf32>,
        %get3A_243 = vector.shape_cast %get3A_242 : vector<1x16xf32> to vector<16xf32>
        %get3A_244 = arith.index_cast %scan3A_213 : i32 to index
        %get3A_245 = arith.constant 32 : index
        %get3A_246 = tpu.vector_load %arg6[%get3A_244, %get3A_245] {strides = array<i32>} : memref<200x64xf32, #tpu.memory_space<vmem>>, vector<1x16xf32>,
        %get3A_247 = vector.shape_cast %get3A_246 : vector<1x16xf32> to vector<16xf32>
        %add3A_248 = arith.addf %get3A_243, %get3A_247 : vector<16xf32>
        %swap3A_249 = arith.index_cast %scan3A_213 : i32 to index
        %swap3A_250 = arith.constant 32 : index
        %swap3A_251 = tpu.vector_load %arg9[%swap3A_249, %swap3A_250] {strides = array<i32>} : memref<200x64xf32, #tpu.memory_space<vmem>>, vector<1x16xf32>,
        %swap3A_252 = vector.shape_cast %swap3A_251 : vector<1x16xf32> to vector<16xf32>
        %swap3A_253 = vector.shape_cast %add3A_248 : vector<16xf32> to vector<1x16xf32>
        tpu.vector_store %arg9[%swap3A_249, %swap3A_250], %swap3A_253 {strides = array<i32>} : memref<200x64xf32, #tpu.memory_space<vmem>>, vector<1x16xf32>,
        %get3A_254 = arith.index_cast %scan3A_213 : i32 to index
        %get3A_255 = arith.constant 48 : index
        %get3A_256 = tpu.vector_load %arg9[%get3A_254, %get3A_255] {strides = array<i32>} : memref<200x64xf32, #tpu.memory_space<vmem>>, vector<1x16xf32>,
        %get3A_257 = vector.shape_cast %get3A_256 : vector<1x16xf32> to vector<16xf32>
        %get3A_258 = arith.index_cast %scan3A_213 : i32 to index
        %get3A_259 = arith.constant 48 : index
        %get3A_260 = tpu.vector_load %arg6[%get3A_258, %get3A_259] {strides = array<i32>} : memref<200x64xf32, #tpu.memory_space<vmem>>, vector<1x16xf32>,
        %get3A_261 = vector.shape_cast %get3A_260 : vector<1x16xf32> to vector<16xf32>
        %add3A_262 = arith.addf %get3A_257, %get3A_261 : vector<16xf32>
        %swap3A_263 = arith.index_cast %scan3A_213 : i32 to index
        %swap3A_264 = arith.constant 48 : index
        %swap3A_265 = tpu.vector_load %arg9[%swap3A_263, %swap3A_264] {strides = array<i32>} : memref<200x64xf32, #tpu.memory_space<vmem>>, vector<1x16xf32>,
        %swap3A_266 = vector.shape_cast %swap3A_265 : vector<1x16xf32> to vector<16xf32>
        %swap3A_267 = vector.shape_cast %add3A_262 : vector<16xf32> to vector<1x16xf32>
        tpu.vector_store %arg9[%swap3A_263, %swap3A_264], %swap3A_267 {strides = array<i32>} : memref<200x64xf32, #tpu.memory_space<vmem>>, vector<1x16xf32>,
        %scan3A_268 = arith.constant 1 : i32
        %scan3A_269 = arith.addi %scan3A_213, %scan3A_268 : i32
        %get3A_270 = arith.index_cast %scan3A_269 : i32 to index
        %get3A_271 = arith.constant 0 : index
        %get3A_272 = tpu.vector_load %arg9[%get3A_270, %get3A_271] {strides = array<i32>} : memref<200x64xf32, #tpu.memory_space<vmem>>, vector<1x16xf32>,
        %get3A_273 = vector.shape_cast %get3A_272 : vector<1x16xf32> to vector<16xf32>
        %get3A_274 = arith.index_cast %scan3A_269 : i32 to index
        %get3A_275 = arith.constant 0 : index
        %get3A_276 = tpu.vector_load %arg6[%get3A_274, %get3A_275] {strides = array<i32>} : memref<200x64xf32, #tpu.memory_space<vmem>>, vector<1x16xf32>,
        %get3A_277 = vector.shape_cast %get3A_276 : vector<1x16xf32> to vector<16xf32>
        %add3A_278 = arith.addf %get3A_273, %get3A_277 : vector<16xf32>
        %swap3A_279 = arith.index_cast %scan3A_269 : i32 to index
        %swap3A_280 = arith.constant 0 : index
        %swap3A_281 = tpu.vector_load %arg9[%swap3A_279, %swap3A_280] {strides = array<i32>} : memref<200x64xf32, #tpu.memory_space<vmem>>, vector<1x16xf32>,
        %swap3A_282 = vector.shape_cast %swap3A_281 : vector<1x16xf32> to vector<16xf32>
        %swap3A_283 = vector.shape_cast %add3A_278 : vector<16xf32> to vector<1x16xf32>
        tpu.vector_store %arg9[%swap3A_279, %swap3A_280], %swap3A_283 {strides = array<i32>} : memref<200x64xf32, #tpu.memory_space<vmem>>, vector<1x16xf32>,
        %get3A_284 = arith.index_cast %scan3A_269 : i32 to index
        %get3A_285 = arith.constant 16 : index
        %get3A_286 = tpu.vector_load %arg9[%get3A_284, %get3A_285] {strides = array<i32>} : memref<200x64xf32, #tpu.memory_space<vmem>>, vector<1x16xf32>,
        %get3A_287 = vector.shape_cast %get3A_286 : vector<1x16xf32> to vector<16xf32>
        %get3A_288 = arith.index_cast %scan3A_269 : i32 to index
        %get3A_289 = arith.constant 16 : index
        %get3A_290 = tpu.vector_load %arg6[%get3A_288, %get3A_289] {strides = array<i32>} : memref<200x64xf32, #tpu.memory_space<vmem>>, vector<1x16xf32>,
        %get3A_291 = vector.shape_cast %get3A_290 : vector<1x16xf32> to vector<16xf32>
        %add3A_292 = arith.addf %get3A_287, %get3A_291 : vector<16xf32>
        %swap3A_293 = arith.index_cast %scan3A_269 : i32 to index
        %swap3A_294 = arith.constant 16 : index
        %swap3A_295 = tpu.vector_load %arg9[%swap3A_293, %swap3A_294] {strides = array<i32>} : memref<200x64xf32, #tpu.memory_space<vmem>>, vector<1x16xf32>,
        %swap3A_296 = vector.shape_cast %swap3A_295 : vector<1x16xf32> to vector<16xf32>
        %swap3A_297 = vector.shape_cast %add3A_292 : vector<16xf32> to vector<1x16xf32>
        tpu.vector_store %arg9[%swap3A_293, %swap3A_294], %swap3A_297 {strides = array<i32>} : memref<200x64xf32, #tpu.memory_space<vmem>>, vector<1x16xf32>,
        %get3A_298 = arith.index_cast %scan3A_269 : i32 to index
        %get3A_299 = arith.constant 32 : index
        %get3A_300 = tpu.vector_load %arg9[%get3A_298, %get3A_299] {strides = array<i32>} : memref<200x64xf32, #tpu.memory_space<vmem>>, vector<1x16xf32>,
        %get3A_301 = vector.shape_cast %get3A_300 : vector<1x16xf32> to vector<16xf32>
        %get3A_302 = arith.index_cast %scan3A_269 : i32 to index
        %get3A_303 = arith.constant 32 : index
        %get3A_304 = tpu.vector_load %arg6[%get3A_302, %get3A_303] {strides = array<i32>} : memref<200x64xf32, #tpu.memory_space<vmem>>, vector<1x16xf32>,
        %get3A_305 = vector.shape_cast %get3A_304 : vector<1x16xf32> to vector<16xf32>
        %add3A_306 = arith.addf %get3A_301, %get3A_305 : vector<16xf32>
        %swap3A_307 = arith.index_cast %scan3A_269 : i32 to index
        %swap3A_308 = arith.constant 32 : index
        %swap3A_309 = tpu.vector_load %arg9[%swap3A_307, %swap3A_308] {strides = array<i32>} : memref<200x64xf32, #tpu.memory_space<vmem>>, vector<1x16xf32>,
        %swap3A_310 = vector.shape_cast %swap3A_309 : vector<1x16xf32> to vector<16xf32>
        %swap3A_311 = vector.shape_cast %add3A_306 : vector<16xf32> to vector<1x16xf32>
        tpu.vector_store %arg9[%swap3A_307, %swap3A_308], %swap3A_311 {strides = array<i32>} : memref<200x64xf32, #tpu.memory_space<vmem>>, vector<1x16xf32>,
        %get3A_312 = arith.index_cast %scan3A_269 : i32 to index
        %get3A_313 = arith.constant 48 : index
        %get3A_314 = tpu.vector_load %arg9[%get3A_312, %get3A_313] {strides = array<i32>} : memref<200x64xf32, #tpu.memory_space<vmem>>, vector<1x16xf32>,
        %get3A_315 = vector.shape_cast %get3A_314 : vector<1x16xf32> to vector<16xf32>
        %get3A_316 = arith.index_cast %scan3A_269 : i32 to index
        %get3A_317 = arith.constant 48 : index
        %get3A_318 = tpu.vector_load %arg6[%get3A_316, %get3A_317] {strides = array<i32>} : memref<200x64xf32, #tpu.memory_space<vmem>>, vector<1x16xf32>,
        %get3A_319 = vector.shape_cast %get3A_318 : vector<1x16xf32> to vector<16xf32>
        %add3A_320 = arith.addf %get3A_315, %get3A_319 : vector<16xf32>
        %swap3A_321 = arith.index_cast %scan3A_269 : i32 to index
        %swap3A_322 = arith.constant 48 : index
        %swap3A_323 = tpu.vector_load %arg9[%swap3A_321, %swap3A_322] {strides = array<i32>} : memref<200x64xf32, #tpu.memory_space<vmem>>, vector<1x16xf32>,
        %swap3A_324 = vector.shape_cast %swap3A_323 : vector<1x16xf32> to vector<16xf32>
        %swap3A_325 = vector.shape_cast %add3A_320 : vector<16xf32> to vector<1x16xf32>
        tpu.vector_store %arg9[%swap3A_321, %swap3A_322], %swap3A_325 {strides = array<i32>} : memref<200x64xf32, #tpu.memory_space<vmem>>, vector<1x16xf32>,
      }
      %scan3A_167 = arith.constant 200 : i32
      %mul3A_168 = arith.constant 200 : i32
      %mul3A_169 = arith.muli %add3A_138, %mul3A_168 : i32
      %add3A_170 = arith.addi %mul3A_2, %mul3A_169 : i32
      %dma_start3A_171 = arith.constant 0 : i32
      %dma_start3A_172 = tpu.memref_slice %arg5[%add3A_170, %dma_start3A_171] : memref<819200x64xf32, #tpu.memory_space<hbm>> -> memref<200x64xf32, #tpu.memory_space<hbm>>
      %dma_start3A_173 = arith.constant 0 : i32
      %dma_start3A_174 = tpu.memref_slice %arg5[%add3A_170, %dma_start3A_173] : memref<819200x64xf32, #tpu.memory_space<hbm>> -> memref<200x64xf32, #tpu.memory_space<hbm>>
      tpu.enqueue_dma source(%arg9 : memref<200x64xf32, #tpu.memory_space<vmem>>) target(%dma_start3A_174 : memref<200x64xf32, #tpu.memory_space<hbm>>) target_semaphore(%arg15 : memref<!tpu.dma_semaphore, #tpu.memory_space<semaphore_mem>>)
      %add3A_175 = arith.constant 1 : i32
      %add3A_176 = arith.addi %add3A_138, %add3A_175 : i32
      %dma_wait3A_177 = arith.constant 0 : i32
      %dma_wait3A_178 = tpu.memref_slice %arg2[%dma_wait3A_177] : memref<819200xi32, #tpu.memory_space<hbm>> -> memref<200xi32, #tpu.memory_space<hbm>>
      %dma_wait3A_179 = arith.constant 0 : i32
      %dma_wait3A_180 = tpu.memref_slice %arg2[%dma_wait3A_179] : memref<819200xi32, #tpu.memory_space<hbm>> -> memref<200xi32, #tpu.memory_space<hbm>>
      tpu.wait_dma2 semaphore(%arg11 : memref<!tpu.dma_semaphore, #tpu.memory_space<semaphore_mem>>) src(%dma_wait3A_180 : memref<200xi32, #tpu.memory_space<hbm>>) dst(%arg7 : memref<200xi32, #tpu.memory_space<vmem>>)
      %dma_wait3A_181 = arith.constant 0 : i32
      %dma_wait3A_182 = arith.constant 0 : i32
      %dma_wait3A_183 = tpu.memref_slice %arg5[%dma_wait3A_181, %dma_wait3A_182] : memref<819200x64xf32, #tpu.memory_space<hbm>> -> memref<200x64xf32, #tpu.memory_space<hbm>>
      %dma_wait3A_184 = arith.constant 0 : i32
      %dma_wait3A_185 = arith.constant 0 : i32
      %dma_wait3A_186 = tpu.memref_slice %arg5[%dma_wait3A_184, %dma_wait3A_185] : memref<819200x64xf32, #tpu.memory_space<hbm>> -> memref<200x64xf32, #tpu.memory_space<hbm>>
      tpu.wait_dma2 semaphore(%arg15 : memref<!tpu.dma_semaphore, #tpu.memory_space<semaphore_mem>>) src(%arg9 : memref<200x64xf32, #tpu.memory_space<vmem>>) dst(%dma_wait3A_186 : memref<200x64xf32, #tpu.memory_space<hbm>>)
      %dma_start3A_187 = arith.constant 0 : i32
      %dma_start3A_188 = arith.constant 0 : i32
      %dma_start3A_189 = tpu.memref_slice %arg3[%dma_start3A_187, %dma_start3A_188] : memref<1000000x64xf32, #tpu.memory_space<hbm>> -> memref<1000000x64xf32, #tpu.memory_space<hbm>>
      tpu.enqueue_indirect_dma source(%dma_start3A_189 : memref<1000000x64xf32, #tpu.memory_space<hbm>>) target(%arg9 : memref<200x64xf32, #tpu.memory_space<vmem>>) offsets(%arg7 : memref<200xi32, #tpu.memory_space<vmem>>) semaphore(%arg13 : memref<!tpu.dma_semaphore, #tpu.memory_space<semaphore_mem>>)
      %dma_wait3A_190 = arith.constant 0 : i32
      %dma_wait3A_191 = arith.constant 0 : i32
      %dma_wait3A_192 = tpu.memref_slice %arg3[%dma_wait3A_190, %dma_wait3A_191] : memref<1000000x64xf32, #tpu.memory_space<hbm>> -> memref<1000000x64xf32, #tpu.memory_space<hbm>>
      tpu.wait_indirect_dma semaphore(%arg14 : memref<!tpu.dma_semaphore, #tpu.memory_space<semaphore_mem>>) src(%dma_wait3A_192 : memref<1000000x64xf32, #tpu.memory_space<hbm>>) dst(%arg10 : memref<200x64xf32, #tpu.memory_space<vmem>>)
      %add3A_193 = arith.constant 2 : i32
      %add3A_194 = arith.addi %add3A_176, %add3A_193 : i32
      %mul3A_195 = arith.constant 200 : i32
      %mul3A_196 = arith.muli %add3A_194, %mul3A_195 : i32
      %add3A_197 = arith.addi %mul3A_2, %mul3A_196 : i32
      %dma_start3A_198 = tpu.memref_slice %arg2[%add3A_197] : memref<819200xi32, #tpu.memory_space<hbm>> -> memref<200xi32, #tpu.memory_space<hbm>>
      %dma_start3A_199 = tpu.memref_slice %arg2[%add3A_197] : memref<819200xi32, #tpu.memory_space<hbm>> -> memref<200xi32, #tpu.memory_space<hbm>>
      tpu.enqueue_dma source(%dma_start3A_199 : memref<200xi32, #tpu.memory_space<hbm>>) target(%arg8 : memref<200xi32, #tpu.memory_space<vmem>>) target_semaphore(%arg12 : memref<!tpu.dma_semaphore, #tpu.memory_space<semaphore_mem>>)
      %scan3A_200 = arith.constant 0 : i32
      %scan3A_201 = arith.constant 0 : i32
      %scan3A_202 = arith.constant 200 : i32
      %scan3A_203 = arith.addi %scan3A_201, %scan3A_202 : i32
      %scan3A_204 = arith.constant 2 : i32
      scf.for %scan3A_213 = %scan3A_201 to %scan3A_203 step %scan3A_204  : i32 {
        %get3A = arith.index_cast %scan3A_213 : i32 to index
        %get3A_214 = arith.constant 0 : index
        %get3A_215 = tpu.vector_load %arg10[%get3A, %get3A_214] {strides = array<i32>} : memref<200x64xf32, #tpu.memory_space<vmem>>, vector<1x16xf32>,
        %get3A_216 = vector.shape_cast %get3A_215 : vector<1x16xf32> to vector<16xf32>
        %get3A_217 = arith.index_cast %scan3A_213 : i32 to index
        %get3A_218 = arith.constant 0 : index
        %get3A_219 = tpu.vector_load %arg6[%get3A_217, %get3A_218] {strides = array<i32>} : memref<200x64xf32, #tpu.memory_space<vmem>>, vector<1x16xf32>,
        %get3A_220 = vector.shape_cast %get3A_219 : vector<1x16xf32> to vector<16xf32>
        %add3A_221 = arith.addf %get3A_216, %get3A_220 : vector<16xf32>
        %swap3A = arith.index_cast %scan3A_213 : i32 to index
        %swap3A_222 = arith.constant 0 : index
        %swap3A_223 = tpu.vector_load %arg10[%swap3A, %swap3A_222] {strides = array<i32>} : memref<200x64xf32, #tpu.memory_space<vmem>>, vector<1x16xf32>,
        %swap3A_224 = vector.shape_cast %swap3A_223 : vector<1x16xf32> to vector<16xf32>
        %swap3A_225 = vector.shape_cast %add3A_221 : vector<16xf32> to vector<1x16xf32>
        tpu.vector_store %arg10[%swap3A, %swap3A_222], %swap3A_225 {strides = array<i32>} : memref<200x64xf32, #tpu.memory_space<vmem>>, vector<1x16xf32>,
        %get3A_226 = arith.index_cast %scan3A_213 : i32 to index
        %get3A_227 = arith.constant 16 : index
        %get3A_228 = tpu.vector_load %arg10[%get3A_226, %get3A_227] {strides = array<i32>} : memref<200x64xf32, #tpu.memory_space<vmem>>, vector<1x16xf32>,
        %get3A_229 = vector.shape_cast %get3A_228 : vector<1x16xf32> to vector<16xf32>
        %get3A_230 = arith.index_cast %scan3A_213 : i32 to index
        %get3A_231 = arith.constant 16 : index
        %get3A_232 = tpu.vector_load %arg6[%get3A_230, %get3A_231] {strides = array<i32>} : memref<200x64xf32, #tpu.memory_space<vmem>>, vector<1x16xf32>,
        %get3A_233 = vector.shape_cast %get3A_232 : vector<1x16xf32> to vector<16xf32>
        %add3A_234 = arith.addf %get3A_229, %get3A_233 : vector<16xf32>
        %swap3A_235 = arith.index_cast %scan3A_213 : i32 to index
        %swap3A_236 = arith.constant 16 : index
        %swap3A_237 = tpu.vector_load %arg10[%swap3A_235, %swap3A_236] {strides = array<i32>} : memref<200x64xf32, #tpu.memory_space<vmem>>, vector<1x16xf32>,
        %swap3A_238 = vector.shape_cast %swap3A_237 : vector<1x16xf32> to vector<16xf32>
        %swap3A_239 = vector.shape_cast %add3A_234 : vector<16xf32> to vector<1x16xf32>
        tpu.vector_store %arg10[%swap3A_235, %swap3A_236], %swap3A_239 {strides = array<i32>} : memref<200x64xf32, #tpu.memory_space<vmem>>, vector<1x16xf32>,
        %get3A_240 = arith.index_cast %scan3A_213 : i32 to index
        %get3A_241 = arith.constant 32 : index
        %get3A_242 = tpu.vector_load %arg10[%get3A_240, %get3A_241] {strides = array<i32>} : memref<200x64xf32, #tpu.memory_space<vmem>>, vector<1x16xf32>,
        %get3A_243 = vector.shape_cast %get3A_242 : vector<1x16xf32> to vector<16xf32>
        %get3A_244 = arith.index_cast %scan3A_213 : i32 to index
        %get3A_245 = arith.constant 32 : index
        %get3A_246 = tpu.vector_load %arg6[%get3A_244, %get3A_245] {strides = array<i32>} : memref<200x64xf32, #tpu.memory_space<vmem>>, vector<1x16xf32>,
        %get3A_247 = vector.shape_cast %get3A_246 : vector<1x16xf32> to vector<16xf32>
        %add3A_248 = arith.addf %get3A_243, %get3A_247 : vector<16xf32>
        %swap3A_249 = arith.index_cast %scan3A_213 : i32 to index
        %swap3A_250 = arith.constant 32 : index
        %swap3A_251 = tpu.vector_load %arg10[%swap3A_249, %swap3A_250] {strides = array<i32>} : memref<200x64xf32, #tpu.memory_space<vmem>>, vector<1x16xf32>,
        %swap3A_252 = vector.shape_cast %swap3A_251 : vector<1x16xf32> to vector<16xf32>
        %swap3A_253 = vector.shape_cast %add3A_248 : vector<16xf32> to vector<1x16xf32>
        tpu.vector_store %arg10[%swap3A_249, %swap3A_250], %swap3A_253 {strides = array<i32>} : memref<200x64xf32, #tpu.memory_space<vmem>>, vector<1x16xf32>,
        %get3A_254 = arith.index_cast %scan3A_213 : i32 to index
        %get3A_255 = arith.constant 48 : index
        %get3A_256 = tpu.vector_load %arg10[%get3A_254, %get3A_255] {strides = array<i32>} : memref<200x64xf32, #tpu.memory_space<vmem>>, vector<1x16xf32>,
        %get3A_257 = vector.shape_cast %get3A_256 : vector<1x16xf32> to vector<16xf32>
        %get3A_258 = arith.index_cast %scan3A_213 : i32 to index
        %get3A_259 = arith.constant 48 : index
        %get3A_260 = tpu.vector_load %arg6[%get3A_258, %get3A_259] {strides = array<i32>} : memref<200x64xf32, #tpu.memory_space<vmem>>, vector<1x16xf32>,
        %get3A_261 = vector.shape_cast %get3A_260 : vector<1x16xf32> to vector<16xf32>
        %add3A_262 = arith.addf %get3A_257, %get3A_261 : vector<16xf32>
        %swap3A_263 = arith.index_cast %scan3A_213 : i32 to index
        %swap3A_264 = arith.constant 48 : index
        %swap3A_265 = tpu.vector_load %arg10[%swap3A_263, %swap3A_264] {strides = array<i32>} : memref<200x64xf32, #tpu.memory_space<vmem>>, vector<1x16xf32>,
        %swap3A_266 = vector.shape_cast %swap3A_265 : vector<1x16xf32> to vector<16xf32>
        %swap3A_267 = vector.shape_cast %add3A_262 : vector<16xf32> to vector<1x16xf32>
        tpu.vector_store %arg10[%swap3A_263, %swap3A_264], %swap3A_267 {strides = array<i32>} : memref<200x64xf32, #tpu.memory_space<vmem>>, vector<1x16xf32>,
        %scan3A_268 = arith.constant 1 : i32
        %scan3A_269 = arith.addi %scan3A_213, %scan3A_268 : i32
        %get3A_270 = arith.index_cast %scan3A_269 : i32 to index
        %get3A_271 = arith.constant 0 : index
        %get3A_272 = tpu.vector_load %arg10[%get3A_270, %get3A_271] {strides = array<i32>} : memref<200x64xf32, #tpu.memory_space<vmem>>, vector<1x16xf32>,
        %get3A_273 = vector.shape_cast %get3A_272 : vector<1x16xf32> to vector<16xf32>
        %get3A_274 = arith.index_cast %scan3A_269 : i32 to index
        %get3A_275 = arith.constant 0 : index
        %get3A_276 = tpu.vector_load %arg6[%get3A_274, %get3A_275] {strides = array<i32>} : memref<200x64xf32, #tpu.memory_space<vmem>>, vector<1x16xf32>,
        %get3A_277 = vector.shape_cast %get3A_276 : vector<1x16xf32> to vector<16xf32>
        %add3A_278 = arith.addf %get3A_273, %get3A_277 : vector<16xf32>
        %swap3A_279 = arith.index_cast %scan3A_269 : i32 to index
        %swap3A_280 = arith.constant 0 : index
        %swap3A_281 = tpu.vector_load %arg10[%swap3A_279, %swap3A_280] {strides = array<i32>} : memref<200x64xf32, #tpu.memory_space<vmem>>, vector<1x16xf32>,
        %swap3A_282 = vector.shape_cast %swap3A_281 : vector<1x16xf32> to vector<16xf32>
        %swap3A_283 = vector.shape_cast %add3A_278 : vector<16xf32> to vector<1x16xf32>
        tpu.vector_store %arg10[%swap3A_279, %swap3A_280], %swap3A_283 {strides = array<i32>} : memref<200x64xf32, #tpu.memory_space<vmem>>, vector<1x16xf32>,
        %get3A_284 = arith.index_cast %scan3A_269 : i32 to index
        %get3A_285 = arith.constant 16 : index
        %get3A_286 = tpu.vector_load %arg10[%get3A_284, %get3A_285] {strides = array<i32>} : memref<200x64xf32, #tpu.memory_space<vmem>>, vector<1x16xf32>,
        %get3A_287 = vector.shape_cast %get3A_286 : vector<1x16xf32> to vector<16xf32>
        %get3A_288 = arith.index_cast %scan3A_269 : i32 to index
        %get3A_289 = arith.constant 16 : index
        %get3A_290 = tpu.vector_load %arg6[%get3A_288, %get3A_289] {strides = array<i32>} : memref<200x64xf32, #tpu.memory_space<vmem>>, vector<1x16xf32>,
        %get3A_291 = vector.shape_cast %get3A_290 : vector<1x16xf32> to vector<16xf32>
        %add3A_292 = arith.addf %get3A_287, %get3A_291 : vector<16xf32>
        %swap3A_293 = arith.index_cast %scan3A_269 : i32 to index
        %swap3A_294 = arith.constant 16 : index
        %swap3A_295 = tpu.vector_load %arg10[%swap3A_293, %swap3A_294] {strides = array<i32>} : memref<200x64xf32, #tpu.memory_space<vmem>>, vector<1x16xf32>,
        %swap3A_296 = vector.shape_cast %swap3A_295 : vector<1x16xf32> to vector<16xf32>
        %swap3A_297 = vector.shape_cast %add3A_292 : vector<16xf32> to vector<1x16xf32>
        tpu.vector_store %arg10[%swap3A_293, %swap3A_294], %swap3A_297 {strides = array<i32>} : memref<200x64xf32, #tpu.memory_space<vmem>>, vector<1x16xf32>,
        %get3A_298 = arith.index_cast %scan3A_269 : i32 to index
        %get3A_299 = arith.constant 32 : index
        %get3A_300 = tpu.vector_load %arg10[%get3A_298, %get3A_299] {strides = array<i32>} : memref<200x64xf32, #tpu.memory_space<vmem>>, vector<1x16xf32>,
        %get3A_301 = vector.shape_cast %get3A_300 : vector<1x16xf32> to vector<16xf32>
        %get3A_302 = arith.index_cast %scan3A_269 : i32 to index
        %get3A_303 = arith.constant 32 : index
        %get3A_304 = tpu.vector_load %arg6[%get3A_302, %get3A_303] {strides = array<i32>} : memref<200x64xf32, #tpu.memory_space<vmem>>, vector<1x16xf32>,
        %get3A_305 = vector.shape_cast %get3A_304 : vector<1x16xf32> to vector<16xf32>
        %add3A_306 = arith.addf %get3A_301, %get3A_305 : vector<16xf32>
        %swap3A_307 = arith.index_cast %scan3A_269 : i32 to index
        %swap3A_308 = arith.constant 32 : index
        %swap3A_309 = tpu.vector_load %arg10[%swap3A_307, %swap3A_308] {strides = array<i32>} : memref<200x64xf32, #tpu.memory_space<vmem>>, vector<1x16xf32>,
        %swap3A_310 = vector.shape_cast %swap3A_309 : vector<1x16xf32> to vector<16xf32>
        %swap3A_311 = vector.shape_cast %add3A_306 : vector<16xf32> to vector<1x16xf32>
        tpu.vector_store %arg10[%swap3A_307, %swap3A_308], %swap3A_311 {strides = array<i32>} : memref<200x64xf32, #tpu.memory_space<vmem>>, vector<1x16xf32>,
        %get3A_312 = arith.index_cast %scan3A_269 : i32 to index
        %get3A_313 = arith.constant 48 : index
        %get3A_314 = tpu.vector_load %arg10[%get3A_312, %get3A_313] {strides = array<i32>} : memref<200x64xf32, #tpu.memory_space<vmem>>, vector<1x16xf32>,
        %get3A_315 = vector.shape_cast %get3A_314 : vector<1x16xf32> to vector<16xf32>
        %get3A_316 = arith.index_cast %scan3A_269 : i32 to index
        %get3A_317 = arith.constant 48 : index
        %get3A_318 = tpu.vector_load %arg6[%get3A_316, %get3A_317] {strides = array<i32>} : memref<200x64xf32, #tpu.memory_space<vmem>>, vector<1x16xf32>,
        %get3A_319 = vector.shape_cast %get3A_318 : vector<1x16xf32> to vector<16xf32>
        %add3A_320 = arith.addf %get3A_315, %get3A_319 : vector<16xf32>
        %swap3A_321 = arith.index_cast %scan3A_269 : i32 to index
        %swap3A_322 = arith.constant 48 : index
        %swap3A_323 = tpu.vector_load %arg10[%swap3A_321, %swap3A_322] {strides = array<i32>} : memref<200x64xf32, #tpu.memory_space<vmem>>, vector<1x16xf32>,
        %swap3A_324 = vector.shape_cast %swap3A_323 : vector<1x16xf32> to vector<16xf32>
        %swap3A_325 = vector.shape_cast %add3A_320 : vector<16xf32> to vector<1x16xf32>
        tpu.vector_store %arg10[%swap3A_321, %swap3A_322], %swap3A_325 {strides = array<i32>} : memref<200x64xf32, #tpu.memory_space<vmem>>, vector<1x16xf32>,
      }
      %scan3A_205 = arith.constant 200 : i32
      %mul3A_206 = arith.constant 200 : i32
      %mul3A_207 = arith.muli %add3A_176, %mul3A_206 : i32
      %add3A_208 = arith.addi %mul3A_2, %mul3A_207 : i32
      %dma_start3A_209 = arith.constant 0 : i32
      %dma_start3A_210 = tpu.memref_slice %arg5[%add3A_208, %dma_start3A_209] : memref<819200x64xf32, #tpu.memory_space<hbm>> -> memref<200x64xf32, #tpu.memory_space<hbm>>
      %dma_start3A_211 = arith.constant 0 : i32
      %dma_start3A_212 = tpu.memref_slice %arg5[%add3A_208, %dma_start3A_211] : memref<819200x64xf32, #tpu.memory_space<hbm>> -> memref<200x64xf32, #tpu.memory_space<hbm>>
      tpu.enqueue_dma source(%arg10 : memref<200x64xf32, #tpu.memory_space<vmem>>) target(%dma_start3A_212 : memref<200x64xf32, #tpu.memory_space<hbm>>) target_semaphore(%arg16 : memref<!tpu.dma_semaphore, #tpu.memory_space<semaphore_mem>>)
    }
    %scan3A_78 = arith.constant 62 : i32
    %dma_wait3A_79 = arith.constant 0 : i32
    %dma_wait3A_80 = tpu.memref_slice %arg2[%dma_wait3A_79] : memref<819200xi32, #tpu.memory_space<hbm>> -> memref<200xi32, #tpu.memory_space<hbm>>
    %dma_wait3A_81 = arith.constant 0 : i32
    %dma_wait3A_82 = tpu.memref_slice %arg2[%dma_wait3A_81] : memref<819200xi32, #tpu.memory_space<hbm>> -> memref<200xi32, #tpu.memory_space<hbm>>
    tpu.wait_dma2 semaphore(%arg12 : memref<!tpu.dma_semaphore, #tpu.memory_space<semaphore_mem>>) src(%dma_wait3A_82 : memref<200xi32, #tpu.memory_space<hbm>>) dst(%arg8 : memref<200xi32, #tpu.memory_space<vmem>>)
    %dma_wait3A_83 = arith.constant 0 : i32
    %dma_wait3A_84 = arith.constant 0 : i32
    %dma_wait3A_85 = tpu.memref_slice %arg5[%dma_wait3A_83, %dma_wait3A_84] : memref<819200x64xf32, #tpu.memory_space<hbm>> -> memref<200x64xf32, #tpu.memory_space<hbm>>
    %dma_wait3A_86 = arith.constant 0 : i32
    %dma_wait3A_87 = arith.constant 0 : i32
    %dma_wait3A_88 = tpu.memref_slice %arg5[%dma_wait3A_86, %dma_wait3A_87] : memref<819200x64xf32, #tpu.memory_space<hbm>> -> memref<200x64xf32, #tpu.memory_space<hbm>>
    tpu.wait_dma2 semaphore(%arg16 : memref<!tpu.dma_semaphore, #tpu.memory_space<semaphore_mem>>) src(%arg10 : memref<200x64xf32, #tpu.memory_space<vmem>>) dst(%dma_wait3A_88 : memref<200x64xf32, #tpu.memory_space<hbm>>)
    %dma_start3A_89 = arith.constant 0 : i32
    %dma_start3A_90 = arith.constant 0 : i32
    %dma_start3A_91 = tpu.memref_slice %arg3[%dma_start3A_89, %dma_start3A_90] : memref<1000000x64xf32, #tpu.memory_space<hbm>> -> memref<1000000x64xf32, #tpu.memory_space<hbm>>
    tpu.enqueue_indirect_dma source(%dma_start3A_91 : memref<1000000x64xf32, #tpu.memory_space<hbm>>) target(%arg10 : memref<200x64xf32, #tpu.memory_space<vmem>>) offsets(%arg8 : memref<200xi32, #tpu.memory_space<vmem>>) semaphore(%arg14 : memref<!tpu.dma_semaphore, #tpu.memory_space<semaphore_mem>>)
    %dma_wait3A_92 = arith.constant 0 : i32
    %dma_wait3A_93 = arith.constant 0 : i32
    %dma_wait3A_94 = tpu.memref_slice %arg3[%dma_wait3A_92, %dma_wait3A_93] : memref<1000000x64xf32, #tpu.memory_space<hbm>> -> memref<1000000x64xf32, #tpu.memory_space<hbm>>
    tpu.wait_indirect_dma semaphore(%arg13 : memref<!tpu.dma_semaphore, #tpu.memory_space<semaphore_mem>>) src(%dma_wait3A_94 : memref<1000000x64xf32, #tpu.memory_space<hbm>>) dst(%arg9 : memref<200x64xf32, #tpu.memory_space<vmem>>)
    %scan3A_95 = arith.constant 0 : i32
    %scan3A_96 = arith.constant 0 : i32
    %scan3A_97 = arith.constant 200 : i32
    %scan3A_98 = arith.addi %scan3A_96, %scan3A_97 : i32
    %scan3A_99 = arith.constant 2 : i32
    scf.for %scan3A_134 = %scan3A_96 to %scan3A_98 step %scan3A_99  : i32 {
      %get3A = arith.index_cast %scan3A_134 : i32 to index
      %get3A_135 = arith.constant 0 : index
      %get3A_136 = tpu.vector_load %arg9[%get3A, %get3A_135] {strides = array<i32>} : memref<200x64xf32, #tpu.memory_space<vmem>>, vector<1x16xf32>,
      %get3A_137 = vector.shape_cast %get3A_136 : vector<1x16xf32> to vector<16xf32>
      %get3A_138 = arith.index_cast %scan3A_134 : i32 to index
      %get3A_139 = arith.constant 0 : index
      %get3A_140 = tpu.vector_load %arg6[%get3A_138, %get3A_139] {strides = array<i32>} : memref<200x64xf32, #tpu.memory_space<vmem>>, vector<1x16xf32>,
      %get3A_141 = vector.shape_cast %get3A_140 : vector<1x16xf32> to vector<16xf32>
      %add3A_142 = arith.addf %get3A_137, %get3A_141 : vector<16xf32>
      %swap3A = arith.index_cast %scan3A_134 : i32 to index
      %swap3A_143 = arith.constant 0 : index
      %swap3A_144 = tpu.vector_load %arg9[%swap3A, %swap3A_143] {strides = array<i32>} : memref<200x64xf32, #tpu.memory_space<vmem>>, vector<1x16xf32>,
      %swap3A_145 = vector.shape_cast %swap3A_144 : vector<1x16xf32> to vector<16xf32>
      %swap3A_146 = vector.shape_cast %add3A_142 : vector<16xf32> to vector<1x16xf32>
      tpu.vector_store %arg9[%swap3A, %swap3A_143], %swap3A_146 {strides = array<i32>} : memref<200x64xf32, #tpu.memory_space<vmem>>, vector<1x16xf32>,
      %get3A_147 = arith.index_cast %scan3A_134 : i32 to index
      %get3A_148 = arith.constant 16 : index
      %get3A_149 = tpu.vector_load %arg9[%get3A_147, %get3A_148] {strides = array<i32>} : memref<200x64xf32, #tpu.memory_space<vmem>>, vector<1x16xf32>,
      %get3A_150 = vector.shape_cast %get3A_149 : vector<1x16xf32> to vector<16xf32>
      %get3A_151 = arith.index_cast %scan3A_134 : i32 to index
      %get3A_152 = arith.constant 16 : index
      %get3A_153 = tpu.vector_load %arg6[%get3A_151, %get3A_152] {strides = array<i32>} : memref<200x64xf32, #tpu.memory_space<vmem>>, vector<1x16xf32>,
      %get3A_154 = vector.shape_cast %get3A_153 : vector<1x16xf32> to vector<16xf32>
      %add3A_155 = arith.addf %get3A_150, %get3A_154 : vector<16xf32>
      %swap3A_156 = arith.index_cast %scan3A_134 : i32 to index
      %swap3A_157 = arith.constant 16 : index
      %swap3A_158 = tpu.vector_load %arg9[%swap3A_156, %swap3A_157] {strides = array<i32>} : memref<200x64xf32, #tpu.memory_space<vmem>>, vector<1x16xf32>,
      %swap3A_159 = vector.shape_cast %swap3A_158 : vector<1x16xf32> to vector<16xf32>
      %swap3A_160 = vector.shape_cast %add3A_155 : vector<16xf32> to vector<1x16xf32>
      tpu.vector_store %arg9[%swap3A_156, %swap3A_157], %swap3A_160 {strides = array<i32>} : memref<200x64xf32, #tpu.memory_space<vmem>>, vector<1x16xf32>,
      %get3A_161 = arith.index_cast %scan3A_134 : i32 to index
      %get3A_162 = arith.constant 32 : index
      %get3A_163 = tpu.vector_load %arg9[%get3A_161, %get3A_162] {strides = array<i32>} : memref<200x64xf32, #tpu.memory_space<vmem>>, vector<1x16xf32>,
      %get3A_164 = vector.shape_cast %get3A_163 : vector<1x16xf32> to vector<16xf32>
      %get3A_165 = arith.index_cast %scan3A_134 : i32 to index
      %get3A_166 = arith.constant 32 : index
      %get3A_167 = tpu.vector_load %arg6[%get3A_165, %get3A_166] {strides = array<i32>} : memref<200x64xf32, #tpu.memory_space<vmem>>, vector<1x16xf32>,
      %get3A_168 = vector.shape_cast %get3A_167 : vector<1x16xf32> to vector<16xf32>
      %add3A_169 = arith.addf %get3A_164, %get3A_168 : vector<16xf32>
      %swap3A_170 = arith.index_cast %scan3A_134 : i32 to index
      %swap3A_171 = arith.constant 32 : index
      %swap3A_172 = tpu.vector_load %arg9[%swap3A_170, %swap3A_171] {strides = array<i32>} : memref<200x64xf32, #tpu.memory_space<vmem>>, vector<1x16xf32>,
      %swap3A_173 = vector.shape_cast %swap3A_172 : vector<1x16xf32> to vector<16xf32>
      %swap3A_174 = vector.shape_cast %add3A_169 : vector<16xf32> to vector<1x16xf32>
      tpu.vector_store %arg9[%swap3A_170, %swap3A_171], %swap3A_174 {strides = array<i32>} : memref<200x64xf32, #tpu.memory_space<vmem>>, vector<1x16xf32>,
      %get3A_175 = arith.index_cast %scan3A_134 : i32 to index
      %get3A_176 = arith.constant 48 : index
      %get3A_177 = tpu.vector_load %arg9[%get3A_175, %get3A_176] {strides = array<i32>} : memref<200x64xf32, #tpu.memory_space<vmem>>, vector<1x16xf32>,
      %get3A_178 = vector.shape_cast %get3A_177 : vector<1x16xf32> to vector<16xf32>
      %get3A_179 = arith.index_cast %scan3A_134 : i32 to index
      %get3A_180 = arith.constant 48 : index
      %get3A_181 = tpu.vector_load %arg6[%get3A_179, %get3A_180] {strides = array<i32>} : memref<200x64xf32, #tpu.memory_space<vmem>>, vector<1x16xf32>,
      %get3A_182 = vector.shape_cast %get3A_181 : vector<1x16xf32> to vector<16xf32>
      %add3A_183 = arith.addf %get3A_178, %get3A_182 : vector<16xf32>
      %swap3A_184 = arith.index_cast %scan3A_134 : i32 to index
      %swap3A_185 = arith.constant 48 : index
      %swap3A_186 = tpu.vector_load %arg9[%swap3A_184, %swap3A_185] {strides = array<i32>} : memref<200x64xf32, #tpu.memory_space<vmem>>, vector<1x16xf32>,
      %swap3A_187 = vector.shape_cast %swap3A_186 : vector<1x16xf32> to vector<16xf32>
      %swap3A_188 = vector.shape_cast %add3A_183 : vector<16xf32> to vector<1x16xf32>
      tpu.vector_store %arg9[%swap3A_184, %swap3A_185], %swap3A_188 {strides = array<i32>} : memref<200x64xf32, #tpu.memory_space<vmem>>, vector<1x16xf32>,
      %scan3A_189 = arith.constant 1 : i32
      %scan3A_190 = arith.addi %scan3A_134, %scan3A_189 : i32
      %get3A_191 = arith.index_cast %scan3A_190 : i32 to index
      %get3A_192 = arith.constant 0 : index
      %get3A_193 = tpu.vector_load %arg9[%get3A_191, %get3A_192] {strides = array<i32>} : memref<200x64xf32, #tpu.memory_space<vmem>>, vector<1x16xf32>,
      %get3A_194 = vector.shape_cast %get3A_193 : vector<1x16xf32> to vector<16xf32>
      %get3A_195 = arith.index_cast %scan3A_190 : i32 to index
      %get3A_196 = arith.constant 0 : index
      %get3A_197 = tpu.vector_load %arg6[%get3A_195, %get3A_196] {strides = array<i32>} : memref<200x64xf32, #tpu.memory_space<vmem>>, vector<1x16xf32>,
      %get3A_198 = vector.shape_cast %get3A_197 : vector<1x16xf32> to vector<16xf32>
      %add3A_199 = arith.addf %get3A_194, %get3A_198 : vector<16xf32>
      %swap3A_200 = arith.index_cast %scan3A_190 : i32 to index
      %swap3A_201 = arith.constant 0 : index
      %swap3A_202 = tpu.vector_load %arg9[%swap3A_200, %swap3A_201] {strides = array<i32>} : memref<200x64xf32, #tpu.memory_space<vmem>>, vector<1x16xf32>,
      %swap3A_203 = vector.shape_cast %swap3A_202 : vector<1x16xf32> to vector<16xf32>
      %swap3A_204 = vector.shape_cast %add3A_199 : vector<16xf32> to vector<1x16xf32>
      tpu.vector_store %arg9[%swap3A_200, %swap3A_201], %swap3A_204 {strides = array<i32>} : memref<200x64xf32, #tpu.memory_space<vmem>>, vector<1x16xf32>,
      %get3A_205 = arith.index_cast %scan3A_190 : i32 to index
      %get3A_206 = arith.constant 16 : index
      %get3A_207 = tpu.vector_load %arg9[%get3A_205, %get3A_206] {strides = array<i32>} : memref<200x64xf32, #tpu.memory_space<vmem>>, vector<1x16xf32>,
      %get3A_208 = vector.shape_cast %get3A_207 : vector<1x16xf32> to vector<16xf32>
      %get3A_209 = arith.index_cast %scan3A_190 : i32 to index
      %get3A_210 = arith.constant 16 : index
      %get3A_211 = tpu.vector_load %arg6[%get3A_209, %get3A_210] {strides = array<i32>} : memref<200x64xf32, #tpu.memory_space<vmem>>, vector<1x16xf32>,
      %get3A_212 = vector.shape_cast %get3A_211 : vector<1x16xf32> to vector<16xf32>
      %add3A_213 = arith.addf %get3A_208, %get3A_212 : vector<16xf32>
      %swap3A_214 = arith.index_cast %scan3A_190 : i32 to index
      %swap3A_215 = arith.constant 16 : index
      %swap3A_216 = tpu.vector_load %arg9[%swap3A_214, %swap3A_215] {strides = array<i32>} : memref<200x64xf32, #tpu.memory_space<vmem>>, vector<1x16xf32>,
      %swap3A_217 = vector.shape_cast %swap3A_216 : vector<1x16xf32> to vector<16xf32>
      %swap3A_218 = vector.shape_cast %add3A_213 : vector<16xf32> to vector<1x16xf32>
      tpu.vector_store %arg9[%swap3A_214, %swap3A_215], %swap3A_218 {strides = array<i32>} : memref<200x64xf32, #tpu.memory_space<vmem>>, vector<1x16xf32>,
      %get3A_219 = arith.index_cast %scan3A_190 : i32 to index
      %get3A_220 = arith.constant 32 : index
      %get3A_221 = tpu.vector_load %arg9[%get3A_219, %get3A_220] {strides = array<i32>} : memref<200x64xf32, #tpu.memory_space<vmem>>, vector<1x16xf32>,
      %get3A_222 = vector.shape_cast %get3A_221 : vector<1x16xf32> to vector<16xf32>
      %get3A_223 = arith.index_cast %scan3A_190 : i32 to index
      %get3A_224 = arith.constant 32 : index
      %get3A_225 = tpu.vector_load %arg6[%get3A_223, %get3A_224] {strides = array<i32>} : memref<200x64xf32, #tpu.memory_space<vmem>>, vector<1x16xf32>,
      %get3A_226 = vector.shape_cast %get3A_225 : vector<1x16xf32> to vector<16xf32>
      %add3A_227 = arith.addf %get3A_222, %get3A_226 : vector<16xf32>
      %swap3A_228 = arith.index_cast %scan3A_190 : i32 to index
      %swap3A_229 = arith.constant 32 : index
      %swap3A_230 = tpu.vector_load %arg9[%swap3A_228, %swap3A_229] {strides = array<i32>} : memref<200x64xf32, #tpu.memory_space<vmem>>, vector<1x16xf32>,
      %swap3A_231 = vector.shape_cast %swap3A_230 : vector<1x16xf32> to vector<16xf32>
      %swap3A_232 = vector.shape_cast %add3A_227 : vector<16xf32> to vector<1x16xf32>
      tpu.vector_store %arg9[%swap3A_228, %swap3A_229], %swap3A_232 {strides = array<i32>} : memref<200x64xf32, #tpu.memory_space<vmem>>, vector<1x16xf32>,
      %get3A_233 = arith.index_cast %scan3A_190 : i32 to index
      %get3A_234 = arith.constant 48 : index
      %get3A_235 = tpu.vector_load %arg9[%get3A_233, %get3A_234] {strides = array<i32>} : memref<200x64xf32, #tpu.memory_space<vmem>>, vector<1x16xf32>,
      %get3A_236 = vector.shape_cast %get3A_235 : vector<1x16xf32> to vector<16xf32>
      %get3A_237 = arith.index_cast %scan3A_190 : i32 to index
      %get3A_238 = arith.constant 48 : index
      %get3A_239 = tpu.vector_load %arg6[%get3A_237, %get3A_238] {strides = array<i32>} : memref<200x64xf32, #tpu.memory_space<vmem>>, vector<1x16xf32>,
      %get3A_240 = vector.shape_cast %get3A_239 : vector<1x16xf32> to vector<16xf32>
      %add3A_241 = arith.addf %get3A_236, %get3A_240 : vector<16xf32>
      %swap3A_242 = arith.index_cast %scan3A_190 : i32 to index
      %swap3A_243 = arith.constant 48 : index
      %swap3A_244 = tpu.vector_load %arg9[%swap3A_242, %swap3A_243] {strides = array<i32>} : memref<200x64xf32, #tpu.memory_space<vmem>>, vector<1x16xf32>,
      %swap3A_245 = vector.shape_cast %swap3A_244 : vector<1x16xf32> to vector<16xf32>
      %swap3A_246 = vector.shape_cast %add3A_241 : vector<16xf32> to vector<1x16xf32>
      tpu.vector_store %arg9[%swap3A_242, %swap3A_243], %swap3A_246 {strides = array<i32>} : memref<200x64xf32, #tpu.memory_space<vmem>>, vector<1x16xf32>,
    }
    %scan3A_100 = arith.constant 200 : i32
    %add3A_101 = arith.constant 25200 : i32
    %add3A_102 = arith.addi %mul3A_2, %add3A_101 : i32
    %dma_start3A_103 = arith.constant 0 : i32
    %dma_start3A_104 = tpu.memref_slice %arg5[%add3A_102, %dma_start3A_103] : memref<819200x64xf32, #tpu.memory_space<hbm>> -> memref<200x64xf32, #tpu.memory_space<hbm>>
    %dma_start3A_105 = arith.constant 0 : i32
    %dma_start3A_106 = tpu.memref_slice %arg5[%add3A_102, %dma_start3A_105] : memref<819200x64xf32, #tpu.memory_space<hbm>> -> memref<200x64xf32, #tpu.memory_space<hbm>>
    tpu.enqueue_dma source(%arg9 : memref<200x64xf32, #tpu.memory_space<vmem>>) target(%dma_start3A_106 : memref<200x64xf32, #tpu.memory_space<hbm>>) target_semaphore(%arg15 : memref<!tpu.dma_semaphore, #tpu.memory_space<semaphore_mem>>)
    %dma_wait3A_107 = arith.constant 0 : i32
    %dma_wait3A_108 = arith.constant 0 : i32
    %dma_wait3A_109 = tpu.memref_slice %arg3[%dma_wait3A_107, %dma_wait3A_108] : memref<1000000x64xf32, #tpu.memory_space<hbm>> -> memref<1000000x64xf32, #tpu.memory_space<hbm>>
    tpu.wait_indirect_dma semaphore(%arg14 : memref<!tpu.dma_semaphore, #tpu.memory_space<semaphore_mem>>) src(%dma_wait3A_109 : memref<1000000x64xf32, #tpu.memory_space<hbm>>) dst(%arg10 : memref<200x64xf32, #tpu.memory_space<vmem>>)
    %scan3A_110 = arith.constant 0 : i32
    %scan3A_111 = arith.constant 0 : i32
    %scan3A_112 = arith.constant 200 : i32
    %scan3A_113 = arith.addi %scan3A_111, %scan3A_112 : i32
    %scan3A_114 = arith.constant 2 : i32
    scf.for %scan3A_134 = %scan3A_111 to %scan3A_113 step %scan3A_114  : i32 {
      %get3A = arith.index_cast %scan3A_134 : i32 to index
      %get3A_135 = arith.constant 0 : index
      %get3A_136 = tpu.vector_load %arg10[%get3A, %get3A_135] {strides = array<i32>} : memref<200x64xf32, #tpu.memory_space<vmem>>, vector<1x16xf32>,
      %get3A_137 = vector.shape_cast %get3A_136 : vector<1x16xf32> to vector<16xf32>
      %get3A_138 = arith.index_cast %scan3A_134 : i32 to index
      %get3A_139 = arith.constant 0 : index
      %get3A_140 = tpu.vector_load %arg6[%get3A_138, %get3A_139] {strides = array<i32>} : memref<200x64xf32, #tpu.memory_space<vmem>>, vector<1x16xf32>,
      %get3A_141 = vector.shape_cast %get3A_140 : vector<1x16xf32> to vector<16xf32>
      %add3A_142 = arith.addf %get3A_137, %get3A_141 : vector<16xf32>
      %swap3A = arith.index_cast %scan3A_134 : i32 to index
      %swap3A_143 = arith.constant 0 : index
      %swap3A_144 = tpu.vector_load %arg10[%swap3A, %swap3A_143] {strides = array<i32>} : memref<200x64xf32, #tpu.memory_space<vmem>>, vector<1x16xf32>,
      %swap3A_145 = vector.shape_cast %swap3A_144 : vector<1x16xf32> to vector<16xf32>
      %swap3A_146 = vector.shape_cast %add3A_142 : vector<16xf32> to vector<1x16xf32>
      tpu.vector_store %arg10[%swap3A, %swap3A_143], %swap3A_146 {strides = array<i32>} : memref<200x64xf32, #tpu.memory_space<vmem>>, vector<1x16xf32>,
      %get3A_147 = arith.index_cast %scan3A_134 : i32 to index
      %get3A_148 = arith.constant 16 : index
      %get3A_149 = tpu.vector_load %arg10[%get3A_147, %get3A_148] {strides = array<i32>} : memref<200x64xf32, #tpu.memory_space<vmem>>, vector<1x16xf32>,
      %get3A_150 = vector.shape_cast %get3A_149 : vector<1x16xf32> to vector<16xf32>
      %get3A_151 = arith.index_cast %scan3A_134 : i32 to index
      %get3A_152 = arith.constant 16 : index
      %get3A_153 = tpu.vector_load %arg6[%get3A_151, %get3A_152] {strides = array<i32>} : memref<200x64xf32, #tpu.memory_space<vmem>>, vector<1x16xf32>,
      %get3A_154 = vector.shape_cast %get3A_153 : vector<1x16xf32> to vector<16xf32>
      %add3A_155 = arith.addf %get3A_150, %get3A_154 : vector<16xf32>
      %swap3A_156 = arith.index_cast %scan3A_134 : i32 to index
      %swap3A_157 = arith.constant 16 : index
      %swap3A_158 = tpu.vector_load %arg10[%swap3A_156, %swap3A_157] {strides = array<i32>} : memref<200x64xf32, #tpu.memory_space<vmem>>, vector<1x16xf32>,
      %swap3A_159 = vector.shape_cast %swap3A_158 : vector<1x16xf32> to vector<16xf32>
      %swap3A_160 = vector.shape_cast %add3A_155 : vector<16xf32> to vector<1x16xf32>
      tpu.vector_store %arg10[%swap3A_156, %swap3A_157], %swap3A_160 {strides = array<i32>} : memref<200x64xf32, #tpu.memory_space<vmem>>, vector<1x16xf32>,
      %get3A_161 = arith.index_cast %scan3A_134 : i32 to index
      %get3A_162 = arith.constant 32 : index
      %get3A_163 = tpu.vector_load %arg10[%get3A_161, %get3A_162] {strides = array<i32>} : memref<200x64xf32, #tpu.memory_space<vmem>>, vector<1x16xf32>,
      %get3A_164 = vector.shape_cast %get3A_163 : vector<1x16xf32> to vector<16xf32>
      %get3A_165 = arith.index_cast %scan3A_134 : i32 to index
      %get3A_166 = arith.constant 32 : index
      %get3A_167 = tpu.vector_load %arg6[%get3A_165, %get3A_166] {strides = array<i32>} : memref<200x64xf32, #tpu.memory_space<vmem>>, vector<1x16xf32>,
      %get3A_168 = vector.shape_cast %get3A_167 : vector<1x16xf32> to vector<16xf32>
      %add3A_169 = arith.addf %get3A_164, %get3A_168 : vector<16xf32>
      %swap3A_170 = arith.index_cast %scan3A_134 : i32 to index
      %swap3A_171 = arith.constant 32 : index
      %swap3A_172 = tpu.vector_load %arg10[%swap3A_170, %swap3A_171] {strides = array<i32>} : memref<200x64xf32, #tpu.memory_space<vmem>>, vector<1x16xf32>,
      %swap3A_173 = vector.shape_cast %swap3A_172 : vector<1x16xf32> to vector<16xf32>
      %swap3A_174 = vector.shape_cast %add3A_169 : vector<16xf32> to vector<1x16xf32>
      tpu.vector_store %arg10[%swap3A_170, %swap3A_171], %swap3A_174 {strides = array<i32>} : memref<200x64xf32, #tpu.memory_space<vmem>>, vector<1x16xf32>,
      %get3A_175 = arith.index_cast %scan3A_134 : i32 to index
      %get3A_176 = arith.constant 48 : index
      %get3A_177 = tpu.vector_load %arg10[%get3A_175, %get3A_176] {strides = array<i32>} : memref<200x64xf32, #tpu.memory_space<vmem>>, vector<1x16xf32>,
      %get3A_178 = vector.shape_cast %get3A_177 : vector<1x16xf32> to vector<16xf32>
      %get3A_179 = arith.index_cast %scan3A_134 : i32 to index
      %get3A_180 = arith.constant 48 : index
      %get3A_181 = tpu.vector_load %arg6[%get3A_179, %get3A_180] {strides = array<i32>} : memref<200x64xf32, #tpu.memory_space<vmem>>, vector<1x16xf32>,
      %get3A_182 = vector.shape_cast %get3A_181 : vector<1x16xf32> to vector<16xf32>
      %add3A_183 = arith.addf %get3A_178, %get3A_182 : vector<16xf32>
      %swap3A_184 = arith.index_cast %scan3A_134 : i32 to index
      %swap3A_185 = arith.constant 48 : index
      %swap3A_186 = tpu.vector_load %arg10[%swap3A_184, %swap3A_185] {strides = array<i32>} : memref<200x64xf32, #tpu.memory_space<vmem>>, vector<1x16xf32>,
      %swap3A_187 = vector.shape_cast %swap3A_186 : vector<1x16xf32> to vector<16xf32>
      %swap3A_188 = vector.shape_cast %add3A_183 : vector<16xf32> to vector<1x16xf32>
      tpu.vector_store %arg10[%swap3A_184, %swap3A_185], %swap3A_188 {strides = array<i32>} : memref<200x64xf32, #tpu.memory_space<vmem>>, vector<1x16xf32>,
      %scan3A_189 = arith.constant 1 : i32
      %scan3A_190 = arith.addi %scan3A_134, %scan3A_189 : i32
      %get3A_191 = arith.index_cast %scan3A_190 : i32 to index
      %get3A_192 = arith.constant 0 : index
      %get3A_193 = tpu.vector_load %arg10[%get3A_191, %get3A_192] {strides = array<i32>} : memref<200x64xf32, #tpu.memory_space<vmem>>, vector<1x16xf32>,
      %get3A_194 = vector.shape_cast %get3A_193 : vector<1x16xf32> to vector<16xf32>
      %get3A_195 = arith.index_cast %scan3A_190 : i32 to index
      %get3A_196 = arith.constant 0 : index
      %get3A_197 = tpu.vector_load %arg6[%get3A_195, %get3A_196] {strides = array<i32>} : memref<200x64xf32, #tpu.memory_space<vmem>>, vector<1x16xf32>,
      %get3A_198 = vector.shape_cast %get3A_197 : vector<1x16xf32> to vector<16xf32>
      %add3A_199 = arith.addf %get3A_194, %get3A_198 : vector<16xf32>
      %swap3A_200 = arith.index_cast %scan3A_190 : i32 to index
      %swap3A_201 = arith.constant 0 : index
      %swap3A_202 = tpu.vector_load %arg10[%swap3A_200, %swap3A_201] {strides = array<i32>} : memref<200x64xf32, #tpu.memory_space<vmem>>, vector<1x16xf32>,
      %swap3A_203 = vector.shape_cast %swap3A_202 : vector<1x16xf32> to vector<16xf32>
      %swap3A_204 = vector.shape_cast %add3A_199 : vector<16xf32> to vector<1x16xf32>
      tpu.vector_store %arg10[%swap3A_200, %swap3A_201], %swap3A_204 {strides = array<i32>} : memref<200x64xf32, #tpu.memory_space<vmem>>, vector<1x16xf32>,
      %get3A_205 = arith.index_cast %scan3A_190 : i32 to index
      %get3A_206 = arith.constant 16 : index
      %get3A_207 = tpu.vector_load %arg10[%get3A_205, %get3A_206] {strides = array<i32>} : memref<200x64xf32, #tpu.memory_space<vmem>>, vector<1x16xf32>,
      %get3A_208 = vector.shape_cast %get3A_207 : vector<1x16xf32> to vector<16xf32>
      %get3A_209 = arith.index_cast %scan3A_190 : i32 to index
      %get3A_210 = arith.constant 16 : index
      %get3A_211 = tpu.vector_load %arg6[%get3A_209, %get3A_210] {strides = array<i32>} : memref<200x64xf32, #tpu.memory_space<vmem>>, vector<1x16xf32>,
      %get3A_212 = vector.shape_cast %get3A_211 : vector<1x16xf32> to vector<16xf32>
      %add3A_213 = arith.addf %get3A_208, %get3A_212 : vector<16xf32>
      %swap3A_214 = arith.index_cast %scan3A_190 : i32 to index
      %swap3A_215 = arith.constant 16 : index
      %swap3A_216 = tpu.vector_load %arg10[%swap3A_214, %swap3A_215] {strides = array<i32>} : memref<200x64xf32, #tpu.memory_space<vmem>>, vector<1x16xf32>,
      %swap3A_217 = vector.shape_cast %swap3A_216 : vector<1x16xf32> to vector<16xf32>
      %swap3A_218 = vector.shape_cast %add3A_213 : vector<16xf32> to vector<1x16xf32>
      tpu.vector_store %arg10[%swap3A_214, %swap3A_215], %swap3A_218 {strides = array<i32>} : memref<200x64xf32, #tpu.memory_space<vmem>>, vector<1x16xf32>,
      %get3A_219 = arith.index_cast %scan3A_190 : i32 to index
      %get3A_220 = arith.constant 32 : index
      %get3A_221 = tpu.vector_load %arg10[%get3A_219, %get3A_220] {strides = array<i32>} : memref<200x64xf32, #tpu.memory_space<vmem>>, vector<1x16xf32>,
      %get3A_222 = vector.shape_cast %get3A_221 : vector<1x16xf32> to vector<16xf32>
      %get3A_223 = arith.index_cast %scan3A_190 : i32 to index
      %get3A_224 = arith.constant 32 : index
      %get3A_225 = tpu.vector_load %arg6[%get3A_223, %get3A_224] {strides = array<i32>} : memref<200x64xf32, #tpu.memory_space<vmem>>, vector<1x16xf32>,
      %get3A_226 = vector.shape_cast %get3A_225 : vector<1x16xf32> to vector<16xf32>
      %add3A_227 = arith.addf %get3A_222, %get3A_226 : vector<16xf32>
      %swap3A_228 = arith.index_cast %scan3A_190 : i32 to index
      %swap3A_229 = arith.constant 32 : index
      %swap3A_230 = tpu.vector_load %arg10[%swap3A_228, %swap3A_229] {strides = array<i32>} : memref<200x64xf32, #tpu.memory_space<vmem>>, vector<1x16xf32>,
      %swap3A_231 = vector.shape_cast %swap3A_230 : vector<1x16xf32> to vector<16xf32>
      %swap3A_232 = vector.shape_cast %add3A_227 : vector<16xf32> to vector<1x16xf32>
      tpu.vector_store %arg10[%swap3A_228, %swap3A_229], %swap3A_232 {strides = array<i32>} : memref<200x64xf32, #tpu.memory_space<vmem>>, vector<1x16xf32>,
      %get3A_233 = arith.index_cast %scan3A_190 : i32 to index
      %get3A_234 = arith.constant 48 : index
      %get3A_235 = tpu.vector_load %arg10[%get3A_233, %get3A_234] {strides = array<i32>} : memref<200x64xf32, #tpu.memory_space<vmem>>, vector<1x16xf32>,
      %get3A_236 = vector.shape_cast %get3A_235 : vector<1x16xf32> to vector<16xf32>
      %get3A_237 = arith.index_cast %scan3A_190 : i32 to index
      %get3A_238 = arith.constant 48 : index
      %get3A_239 = tpu.vector_load %arg6[%get3A_237, %get3A_238] {strides = array<i32>} : memref<200x64xf32, #tpu.memory_space<vmem>>, vector<1x16xf32>,
      %get3A_240 = vector.shape_cast %get3A_239 : vector<1x16xf32> to vector<16xf32>
      %add3A_241 = arith.addf %get3A_236, %get3A_240 : vector<16xf32>
      %swap3A_242 = arith.index_cast %scan3A_190 : i32 to index
      %swap3A_243 = arith.constant 48 : index
      %swap3A_244 = tpu.vector_load %arg10[%swap3A_242, %swap3A_243] {strides = array<i32>} : memref<200x64xf32, #tpu.memory_space<vmem>>, vector<1x16xf32>,
      %swap3A_245 = vector.shape_cast %swap3A_244 : vector<1x16xf32> to vector<16xf32>
      %swap3A_246 = vector.shape_cast %add3A_241 : vector<16xf32> to vector<1x16xf32>
      tpu.vector_store %arg10[%swap3A_242, %swap3A_243], %swap3A_246 {strides = array<i32>} : memref<200x64xf32, #tpu.memory_space<vmem>>, vector<1x16xf32>,
    }
    %scan3A_115 = arith.constant 200 : i32
    %add3A_116 = arith.constant 25400 : i32
    %add3A_117 = arith.addi %mul3A_2, %add3A_116 : i32
    %dma_start3A_118 = arith.constant 0 : i32
    %dma_start3A_119 = tpu.memref_slice %arg5[%add3A_117, %dma_start3A_118] : memref<819200x64xf32, #tpu.memory_space<hbm>> -> memref<200x64xf32, #tpu.memory_space<hbm>>
    %dma_start3A_120 = arith.constant 0 : i32
    %dma_start3A_121 = tpu.memref_slice %arg5[%add3A_117, %dma_start3A_120] : memref<819200x64xf32, #tpu.memory_space<hbm>> -> memref<200x64xf32, #tpu.memory_space<hbm>>
    tpu.enqueue_dma source(%arg10 : memref<200x64xf32, #tpu.memory_space<vmem>>) target(%dma_start3A_121 : memref<200x64xf32, #tpu.memory_space<hbm>>) target_semaphore(%arg16 : memref<!tpu.dma_semaphore, #tpu.memory_space<semaphore_mem>>)
    %dma_wait3A_122 = arith.constant 0 : i32
    %dma_wait3A_123 = arith.constant 0 : i32
    %dma_wait3A_124 = tpu.memref_slice %arg5[%dma_wait3A_122, %dma_wait3A_123] : memref<819200x64xf32, #tpu.memory_space<hbm>> -> memref<200x64xf32, #tpu.memory_space<hbm>>
    %dma_wait3A_125 = arith.constant 0 : i32
    %dma_wait3A_126 = arith.constant 0 : i32
    %dma_wait3A_127 = tpu.memref_slice %arg5[%dma_wait3A_125, %dma_wait3A_126] : memref<819200x64xf32, #tpu.memory_space<hbm>> -> memref<200x64xf32, #tpu.memory_space<hbm>>
    tpu.wait_dma2 semaphore(%arg15 : memref<!tpu.dma_semaphore, #tpu.memory_space<semaphore_mem>>) src(%arg9 : memref<200x64xf32, #tpu.memory_space<vmem>>) dst(%dma_wait3A_127 : memref<200x64xf32, #tpu.memory_space<hbm>>)
    %dma_wait3A_128 = arith.constant 0 : i32
    %dma_wait3A_129 = arith.constant 0 : i32
    %dma_wait3A_130 = tpu.memref_slice %arg5[%dma_wait3A_128, %dma_wait3A_129] : memref<819200x64xf32, #tpu.memory_space<hbm>> -> memref<200x64xf32, #tpu.memory_space<hbm>>
    %dma_wait3A_131 = arith.constant 0 : i32
    %dma_wait3A_132 = arith.constant 0 : i32
    %dma_wait3A_133 = tpu.memref_slice %arg5[%dma_wait3A_131, %dma_wait3A_132] : memref<819200x64xf32, #tpu.memory_space<hbm>> -> memref<200x64xf32, #tpu.memory_space<hbm>>
    tpu.wait_dma2 semaphore(%arg16 : memref<!tpu.dma_semaphore, #tpu.memory_space<semaphore_mem>>) src(%arg10 : memref<200x64xf32, #tpu.memory_space<vmem>>) dst(%dma_wait3A_133 : memref<200x64xf32, #tpu.memory_space<hbm>>)
    return
  }
}

</mosaic_0001>

<sc_bundles>
// kernel: kernel.3.cloned.1.call-start
scs
__scs_entry_jumppad:
0x0: {  	(pc) =	sbr.rel $0x88, $3  }
0x1: {  	(tag) =	ssettag $0x0;
	lr =	simm.s32 $0x1  }
0x2: {  	[smem:$0x3F9E] =	sst lr;
	_ =	strace $0xD0000000  }
0x3: {  	_ = 	snop  }
0x4: {  	_ = 	snop  }
0x5: {  	_ = 	snop  }
0x6: {  	_ = 	snop  }
0x7: {  	_ = 	snop  }
__scs_overlays_trampoline_lowered:
0x8: {  	[smem:$0x3FAD] =	sst s0  }
0x9: {  	[smem:$0x3FAE] =	sst s1  }
0xa: {  	[smem:$0x3FAF] =	sst s2  }
0xb: {  	[smem:$0x3FB0] =	sst s3  }
0xc: {  	[smem:$0x3FB1] =	sst s4  }
0xd: {  	[smem:$0x3FB2] =	sst s5  }
0xe: {  	[smem:$0x3FB3] =	sst s6  }
0xf: {  	[smem:$0x3FB4] =	sst s7  }
0x10: {  	[smem:$0x3FB5] =	sst s8  }
0x11: {  	[smem:$0x3FB6] =	sst s9;
	s0 =	simm.s32 @!p0 $0x0  }
0x12: {  	s1 =	sld [smem:$0x3F9C];
	s0 =	simm.s32 @p0 $0x1  }
0x13: {  	[smem:$0x3FB7] =	sst s0;
	s0 =	simm.s32 @!p1 $0x0  }
0x14: {  	s2 =	sld [smem:$0x3F9B];
	s0 =	simm.s32 @p1 $0x1  }
0x15: {  	[smem:$0x3FB8] =	sst s0;
	s0 =	simm.s32 @!p2 $0x0  }
0x16: {  	s3 =	sld [smem:$0x3FDB];
	s0 =	simm.s32 @p2 $0x1  }
0x17: {  	s4 =	simm.s32 $0x1BF5;
	[smem:$0x3FBA] =	sst s0  }
0x18: {  	s0 =	sld [smem:$0x3F9D];
	_ =	swait.ge [sflag:s4], $0x0  }
0x19: {  	s7 =	sld [smem:$0x3F9E]  }
0x1a: {  	s8 =	sadd.s32 $0xFFFFE003, lr  }
0x1b: {  	s9 =	sadd.s32 $0xFFFFFEF7, lr;
	s5 =	simm.s32 $0xFFFFFFFF;
	p2 =	slt.u32 s8, $0xFFFFF086  }
0x1c: {  	p1 =	slt.u32 s9, $0xF7A;
	s5 =	simm.s32 @!p2 $0x0  }
0x1d: {  	s5 =	simm.s32 @p1 $0x1;
	p0 =	seq.s32 s7, s2  }
0x1e: {  	s7 =	smul.u32 @!p0 $0xF7A, s2;
	p2 =	seq.s32 @!p0 s5, $0x0  }
0x1f: {  	s9 =	smul.u32 $0xF7A, s1;
	s8 =	simm.s32 @!p0 $0x1BF5;
	p2 =	por !p2, p0  }
0x20: {  	[sflag:s8] =	ssyncset.s32 @!p0 $0xFFFFF086;
	s6 =	sadd.s32 @!p0 s3, s7;
	s7 =	simm.s32 @!p0 $0x108  }
0x21: {  	s3 =	sadd.s32 s3, s9;
	s6 =	sadd.s32 @!p0 $0x88, s6;
	s7 =	simm.s32 @p2 $0x1082  }
0x22: {  	[simem:s7], [sflag:s8] =	dma.local @!p0 [hbm:s6], $0xF7A  }
0x23: {  	s9 =	sor.u32 $0xD0000000, s2;
	s6 =	simm.s32 $0x108;
	_ =	swait.ge @!p0 [sflag:s8], $0x0  }
0x24: {  	s3 =	sadd.s32 $0x88, s3;
	s6 =	simm.s32 @!p1 $0x1082;
	[sflag:s4] =	ssyncset.s32 $0xFFFFF086  }
0x25: {  	[simem:s6], [sflag:s4] =	dma.local [hbm:s3], $0xF7A  }
0x26: {  	[smem:$0x3F9E] =	sst s1;
	(tag) =	ssettag s2;
	_ =	strace s9  }
0x27: {  	s1 =	sld [smem:$0x3FAE]  }
0x28: {  	s2 =	sld [smem:$0x3FAF]  }
0x29: {  	s4 =	sld [smem:$0x3FB1]  }
0x2a: {  	p0 =	seq.s32 s5, $0x0;
	s5 =	sld [smem:$0x3FB2]  }
0x2b: {  	s6 =	sld [smem:$0x3FB3]  }
0x2c: {  	s7 =	sld [smem:$0x3FB4]  }
0x2d: {  	s3 =	simm.s32 $0x108;
	s8 =	sld [smem:$0x3FB5]  }
0x2e: {  	s3 =	simm.s32 @!p0 $0x1082;
	s9 =	sld [smem:$0x3FB6]  }
0x2f: {  	lr =	sadd.s32 s0, s3;
	s0 =	sld [smem:$0x3FAD]  }
0x30: {  	s3 =	sld [smem:$0x3FB0]  }
0x31: {  	[smem:$0x3FB9] =	sst s10  }
0x32: {  	s10 =	sld [smem:$0x3FB7];
	_ =	sdelay $0x3  }
0x33: {  	p0 =	seq.s32 s10, $0x1;
	s10 =	sld [smem:$0x3FB9];
	_ =	sdelay $0x3  }
0x34: {  	[smem:$0x3FB9] =	sst s10  }
0x35: {  	s10 =	sld [smem:$0x3FB8];
	_ =	sdelay $0x3  }
0x36: {  	p1 =	seq.s32 s10, $0x1;
	s10 =	sld [smem:$0x3FB9];
	_ =	sdelay $0x3  }
0x37: {  	[smem:$0x3FB9] =	sst s10  }
0x38: {  	s10 =	sld [smem:$0x3FBA]  }
0x39: {  	_ = 	snop;
	(pc) =	sbr.ind lr, $3  }
0x3a: {  	_ = 	snop  }
0x3b: {  	_ = 	snop  }
0x3c: {  	p2 =	seq.s32 s10, $0x1;
	s10 =	sld [smem:$0x3FB9]  }
0x3d: {  	_ =	shalt  }
0x3e: {  	_ =	shalt  }
0x3f: {  	_ =	shalt  }
0x40: {  	_ =	shalt  }
0x41: {  	_ =	shalt  }
0x42: {  	_ =	shalt  }
0x43: {  	_ =	shalt  }
0x44: {  	_ =	shalt  }
0x45: {  	_ =	shalt  }
0x46: {  	_ =	shalt  }
0x47: {  	_ =	shalt  }
0x48: {  	_ =	shalt  }
0x49: {  	_ =	shalt  }
0x4a: {  	_ =	shalt  }
0x4b: {  	_ =	shalt  }
0x4c: {  	_ =	shalt  }
0x4d: {  	_ =	shalt  }
0x4e: {  	_ =	shalt  }
0x4f: {  	_ =	shalt  }
0x50: {  	_ =	shalt  }
0x51: {  	_ =	shalt  }
0x52: {  	_ =	shalt  }
0x53: {  	_ =	shalt  }
0x54: {  	_ =	shalt  }
0x55: {  	_ =	shalt  }
0x56: {  	_ =	shalt  }
0x57: {  	_ =	shalt  }
0x58: {  	_ =	shalt  }
0x59: {  	_ =	shalt  }
0x5a: {  	_ =	shalt  }
0x5b: {  	_ =	shalt  }
0x5c: {  	_ =	shalt  }
0x5d: {  	_ =	shalt  }
0x5e: {  	_ =	shalt  }
0x5f: {  	_ =	shalt  }
0x60: {  	_ =	shalt  }
0x61: {  	_ =	shalt  }
0x62: {  	_ =	shalt  }
0x63: {  	_ =	shalt  }
0x64: {  	_ =	shalt  }
0x65: {  	_ =	shalt  }
0x66: {  	_ =	shalt  }
0x67: {  	_ =	shalt  }
0x68: {  	_ =	shalt  }
0x69: {  	_ =	shalt  }
0x6a: {  	_ =	shalt  }
0x6b: {  	_ =	shalt  }
0x6c: {  	_ =	shalt  }
0x6d: {  	_ =	shalt  }
0x6e: {  	_ =	shalt  }
0x6f: {  	_ =	shalt  }
0x70: {  	_ =	shalt  }
0x71: {  	_ =	shalt  }
0x72: {  	_ =	shalt  }
0x73: {  	_ =	shalt  }
0x74: {  	_ =	shalt  }
0x75: {  	_ =	shalt  }
0x76: {  	_ =	shalt  }
0x77: {  	_ =	shalt  }
0x78: {  	_ =	shalt  }
0x79: {  	_ =	shalt  }
0x7a: {  	_ =	shalt  }
0x7b: {  	_ =	shalt  }
0x7c: {  	_ =	shalt  }
0x7d: {  	_ =	shalt  }
0x7e: {  	_ =	shalt  }
0x7f: {  	_ =	shalt  }
0x80: {  	_ =	shalt  }
0x81: {  	_ =	shalt  }
0x82: {  	_ =	shalt  }
0x83: {  	_ =	shalt  }
0x84: {  	_ =	shalt  }
0x85: {  	_ =	shalt  }
0x86: {  	_ =	shalt  }
0x87: {  	_ =	shalt  }
.Lfunc_end0:
.L_simem_size_0:
called_computation.1_lowered:
.L_overlay_start_0:
0x88: {  	s2 =	sld [smem:$0x3FD9]  }
0x89: {  	s3 =	sld [smem:$0x3FFE];
	_ =	sdelay $0x1  }
0x8a: {  	s1 =	srdreg.scid  }
0x8b: {  	s0 =	sand.u32 $0x1, s1  }
0x8c: {  	s17 =	sshll.u32 s0, $0xA;
	s2 =	sadd.s32 s3, s2  }
0x8d: {  	s2 =	sadd.s32 s2, s17  }
0x8e: {  	[smem:$0x3FC5] =	sst s2  }
0x8f: {  	_ = 	snop  }
0x90: {  	s2 =	sld [smem:$0x3FD0];
	(tm) =	ssettm $0x1  }
0x91: {  	s18 =	sld [smem:$0x3FFB];
	_ =	sdelay $0x3  }
0x92: {  	_ =	strace s18  }
0x93: {  	s3 =	sld [smem:$0x3FFC];
	_ =	sdelay $0x3  }
0x94: {  	_ =	strace s3  }
0x95: {  	s3 =	sld [smem:$0x3FFD];
	_ =	sdelay $0x3  }
0x96: {  	_ =	strace s3  }
0x97: {  	_ =	strace $0x8FFFFFFF  }
0x98: {  	s19 =	sld [smem:$0x3FDB];
	_ =	sdelay $0x1  }
0x99: {  	s4 =	simm.s32 $_scs_section_size  }
0x9a: {  	s5 =	simm.s32 $_size__tile_overlayer_lowered;
	s6 =	simm.s32 $_tile_overlayer_lowered  }
0x9b: {  	s22 =	simm.s32 $0x1BFF;
	s21 =	sshll.u32 s6, $0x1;
	s3 =	sadd.s32 s4, s19  }
0x9c: {  	s7 =	simm.s32 $0x0;
	s20 =	sshll.u32 s5, $0x1;
	s5 =	sadd.s32 s21, s3  }
0x9d: {  	[timem:s7], [sflag:s22] =	dma.local [hbm:s5], s20  }
0x9e: {  	_ =	swait.ge [sflag:s22], s20  }
0x9f: {  	s4 =	ssub.s32 $0x0, s20;
	[sflag:s22] =	ssyncset.done $0x0  }
0xa0: {  	[sflag:s22] =	ssyncadd.s32 s4;
	_ =	sdelay $0x1  }
0xa1: {  	s23 =	simm.s32 $0x1B8B  }
0xa2: {  	_ =	swait.ge [sflag:s23], $0x1  }
0xa3: {  	[sflag:s23] =	ssyncset.done $0x0  }
0xa4: {  	s25 =	simm.s32 $0x1B8E;
	s24 =	sld [smem:$0x3FFE];
	[sflag:s23] =	ssyncadd.s32 $0xFFFFFFFF  }
0xa5: {  	s26 =	simm.s32 $execute0_lowered;
	[smem:$0x3FD2] =	sst s25  }
0xa6: {  	s5 =	sshll.u32 s26, $0x1;
	_ =	strace $0x80000046;
	[dreg:$0x1] =	wrdreg $0xFFFFFFFF  }
0xa7: {  	s28 =	simm.s32 $_size_execute0_lowered;
	s3 =	sadd.s32 s3, s5;
	[dreg:$0x0] =	wrdreg $0x0  }
0xa8: {  	s5 =	sshll.u32 s28, $0x1;
	[dreg:$0x2] =	wrdreg s3  }
0xa9: {  	[dreg:$0x3] =	wrdreg s5  }
0xaa: {  	[dreg:$0x4] =	wrdreg $0xC0  }
0xab: {  	_ =	task [dreg:s7], $0x5FFFF  }
0xac: {  	[dreg:$0x1] =	wrdreg $0xFFFFFFFF  }
0xad: {  	[dreg:$0x0] =	wrdreg $0x60  }
0xae: {  	[dreg:$0x2] =	wrdreg s24  }
0xaf: {  	[dreg:$0x3] =	wrdreg s2  }
0xb0: {  	[dreg:$0x4] =	wrdreg $0x9  }
0xb1: {  	_ =	task.clear_ibuf [dreg:s7], $0x5FFFF;
	_ =	strace $0x90000046  }
0xb2: {  	s29 =	simm.s32 $0x9;
	_ =	strace $0x80000048  }
0xb3: {  	_ =	swait.ge [sflag:s29], $0x1  }
0xb4: {  	[sflag:s29] =	ssyncadd.s32 $0xFFFFFFFF  }
0xb5: {  	_ =	strace $0x90000048  }
0xb6: {  	_ =	sfence  }
0xb7: {  	s30 =	sld [smem:$0x0];
	_ =	sdelay $0x2  }
0xb8: {  	s31 =	sshll.u32 s1, $0xD;
	s1 =	sshrl.u32 s1, $0x2  }
0xb9: {  	s3 =	sand.u32 $0x4000, s31;
	s1 =	sadd.s32 s1, s30  }
0xba: {  	s0 =	sor.u32 s3, s0;
	s1 =	sshll.u32 s1, $0x11  }
0xbb: {  	s0 =	sor.u32 s1, s0  }
0xbc: {  	s0 =	sadd.s32 $0x8F2B, s0  }
0xbd: {  	[sflag:s0] =	ssyncadd.remote.s32 $0x1  }
0xbe: {  	_ =	sfence.sel $0xFFFF  }
0xbf: {  	[dreg:$0x0] =	wrdreg $0xFFFFFFFF;
	(pc) =	sbr.abs _section_cstart, $3  }
0xc0: {  	[dreg:$0x1] =	wrdreg $0xFFFFFFFF  }
0xc1: {  	_ =	task.clear_ibuf [dreg:s7], $0x2FFFF;
	_ =	strace $0x9FFFFFFF  }
0xc2: {  	(tm) =	ssettm $0x7FFFFFFF  }
0xc3: {  	_ =	shalt  }
tec
execute0_lowered:
.L_overlay_start_1:
0x0: {  	(tag) =	ssettag $0x1  }
0x1: {  	s0 =	rddreg [dreg:$0x0]  }
0x2: {  	s2 =	rddreg [dreg:$0x1];
	s1 =	srdreg.scid  }
0x3: {  	s4 =	stileid.u32;
	s3 =	simm.s32 $0x0;
	s28 =	simm.s32 $0x6590  }
0x4: {  	s29 =	simm.s32 $0x3;
	s30 =	simm.s32 $0x5;
	s31 =	simm.s32 $0x4  }
0x5: {  	s1 =	sand.u32 $0x1, s1;
	s4 =	sshll.u32 s4, $0x1;
	[smem:$0x7FF] =	sst s3  }
0x6: {  	s5 =	sadd.s32 $0xF43000, s0;
	s6 =	sor.u32 s1, s4;
	_ =	strace $0x80000047  }
0x7: {  	s1 =	ssub.s32 $0x2, s1;
	s4 =	sadd.s32 $0xC00, s0;
	s8 =	smul.u32 $0x6400, s6  }
0x8: {  	s0 =	sadd.s32 $0x19C00, s0;
	s7 =	sshrl.u32 s1, $0x1;
	s10 =	smul.u32 $0x32000, s6  }
0x9: {  	[dreg:$0x3] =	wrdreg s0;
	s6 =	smul.u32 $0x190000, s6;
	s0 =	simm.s32 $0x6  }
0xa: {  	s20 =	ssub.s32 s1, s7;
	s21 =	sor.u32 $0xC8, s8;
	s22 =	sshrl.u32 s8, $0x3  }
0xb: {  	s24 =	sadd.s32 s2, s10;
	s26 =	sshrl.u32 s6, $0x3;
	s13 =	sor.u32 $0x320, s8  }
0xc: {  	s14 =	sor.u32 $0x190, s8;
	s15 =	sor.u32 $0x3E8, s8;
	s16 =	sor.u32 $0x258, s8  }
0xd: {  	s19 =	smax.u32 s20, $0x1;
	s20 =	simm.s32 $0x3200;
	s9 =	sshrl.u32 s21, $0x3  }
0xe: {  	s7 =	sadd.s32 s4, s22;
	[dreg:$0x6] =	wrdreg s24;
	s9 =	sadd.s32 s4, s9  }
0xf: {  	s1 =	sshll.u32 s21, $0x3;
	s23 =	sadd.s32 $0x32, s7;
	[dreg:$0x4] =	wrdreg s9  }
0x10: {  	s21 =	simm.s32 $0x32C8;
	s25 =	sadd.s32 $0x4B, s7;
	[dreg:$0x5] =	wrdreg s23  }
0x11: {  	s22 =	simm.s32 $0x7;
	s1 =	sadd.s32 s2, s1;
	[dreg:$0x7] =	wrdreg s25  }
0x12: {  	s24 =	simm.s32 $0xC8;
	[dreg:$0x8] =	wrdreg s1;
	s1 =	sadd.s32 s2, s26  }
0x13: {  	s23 =	simm.s32 $0x1;
	s25 =	simm.s32 $0x3390;
	s26 =	simm.s32 $0x2  }
0x14: {  	s17 =	sadd.s32 $0x31380, s1;
	s18 =	sadd.s32 $0x319C0, s1;
	s1 =	simm.s32 $0x0  }
.LBB2_1:
0x15: {  	[tilespmem:s20], [sflag:$0x1] =	stream.linear.gather [hbm4b:s7+s3], $0xC8, $0x38;
	[tilespmem:$0x9790] =	vst v63  }
0x16: {  	s6 =	rddreg [dreg:$0x4]  }
0x17: {  	[tilespmem:s21], [sflag:$0x2] =	stream.linear.gather [hbm4b:s6+s3], $0xC8, $0x38;
	[tilespmem:$0x9790] =	vst v63  }
0x18: {  	s11 =	rddreg [dreg:$0x3]  }
0x19: {  	[tilespmem:s3], [sflag:$0x7] =	stream.linear.gather [hbm4b:s11+s3], $0x3200, $0x38;
	[tilespmem:$0x9790] =	vst v63  }
0x1a: {  	_ =	swait.ge [sflag:s22], $0x3200  }
0x1b: {  	[sflag:s22] =	ssyncset.done $0x0  }
0x1c: {  	[sflag:s22] =	ssyncadd.s32 $0xFFFFCE00  }
0x1d: {  	_ =	swait.ge [sflag:s23], $0xC8  }
0x1e: {  	[sflag:s23] =	ssyncset.done $0x0  }
0x1f: {  	[sflag:s23] =	ssyncadd.s32 $0xFFFFFF38  }
0x20: {  	[tilespmem:s25], [sflag:$0x3] =	stream.indirect.gather [hbm4b:s5+s24], $0x40, s20, s24, $0xb8;
	[tilespmem:$0x9790] =	vst v63  }
0x21: {  	_ =	swait.ge [sflag:s26], $0xC8  }
0x22: {  	[sflag:s26] =	ssyncset.done $0x0  }
0x23: {  	[sflag:s26] =	ssyncadd.s32 $0xFFFFFF38  }
0x24: {  	[tilespmem:s28], [sflag:$0x4] =	stream.indirect.gather [hbm4b:s5+s24], $0x40, s21, s24, $0xb8;
	[tilespmem:$0x9790] =	vst v63  }
0x25: {  	_ =	swait.ge [sflag:s29], $0x3200  }
0x26: {  	[sflag:s29] =	ssyncset.done $0x0  }
0x27: {  	s6 =	simm.s32 $0x33D0;
	s12 =	rddreg [dreg:$0x5];
	[sflag:s29] =	ssyncadd.s32 $0xFFFFCE00  }
0x28: {  	[tilespmem:s20], [sflag:$0x1] =	stream.linear.gather [hbm4b:s12+s3], $0xC8, $0x38;
	[tilespmem:$0x9790] =	vst v63  }
0x29: {  	s8 =	simm.s32 $0x40;
	v0 =	vld [tilespmem:s6+$0xFFFFFFC0]  }
0x2a: {  	v1 =	vld [tilespmem:s8+$0xFFFFFFC0];
	_ =	sdelay $0x4  }
0x2b: {  	v0 =	vadd.f32 v1, v0;
	_ =	sdelay $0x1  }
0x2c: {  	[tilespmem:s6+$0xFFFFFFC0] =	vst v0;
	v0 =	vld [tilespmem:s6+$0xFFFFFFD0]  }
0x2d: {  	v1 =	vld [tilespmem:s8+$0xFFFFFFD0];
	_ =	sdelay $0x4  }
0x2e: {  	v0 =	vadd.f32 v1, v0;
	_ =	sdelay $0x1  }
0x2f: {  	[tilespmem:s6+$0xFFFFFFD0] =	vst v0;
	v0 =	vld [tilespmem:s6+$0xFFFFFFE0]  }
0x30: {  	v1 =	vld [tilespmem:s8+$0xFFFFFFE0];
	_ =	sdelay $0x4  }
0x31: {  	v0 =	vadd.f32 v1, v0;
	_ =	sdelay $0x1  }
0x32: {  	[tilespmem:s6+$0xFFFFFFE0] =	vst v0;
	v0 =	vld [tilespmem:s6+$0xFFFFFFF0]  }
0x33: {  	v1 =	vld [tilespmem:s8+$0xFFFFFFF0];
	_ =	sdelay $0x4  }
0x34: {  	v0 =	vadd.f32 v1, v0;
	_ =	sdelay $0x1  }
0x35: {  	[tilespmem:s6+$0xFFFFFFF0] =	vst v0;
	v0 =	vld [tilespmem:s6+$0x0]  }
0x36: {  	v1 =	vld [tilespmem:s8+$0x0];
	_ =	sdelay $0x4  }
0x37: {  	v0 =	vadd.f32 v1, v0;
	_ =	sdelay $0x1  }
0x38: {  	[tilespmem:s6+$0x0] =	vst v0;
	v0 =	vld [tilespmem:s6+$0x10]  }
0x39: {  	v1 =	vld [tilespmem:s8+$0x10];
	_ =	sdelay $0x4  }
0x3a: {  	v0 =	vadd.f32 v1, v0;
	_ =	sdelay $0x1  }
0x3b: {  	[tilespmem:s6+$0x10] =	vst v0;
	v0 =	vld [tilespmem:s6+$0x20]  }
0x3c: {  	v1 =	vld [tilespmem:s8+$0x20];
	_ =	sdelay $0x4  }
0x3d: {  	v0 =	vadd.f32 v1, v0;
	_ =	sdelay $0x1  }
0x3e: {  	[tilespmem:s6+$0x20] =	vst v0;
	v0 =	vld [tilespmem:s6+$0x30]  }
0x3f: {  	v1 =	vld [tilespmem:s8+$0x30];
	_ =	sdelay $0x4  }
0x40: {  	v0 =	vadd.f32 v1, v0  }
0x41: {  	s9 =	simm.s32 $0x0;
	s10 =	simm.s32 $0x3450  }
.LBB2_2:
0x42: {  	v1 =	vld [tilespmem:s10+$0xFFFFFFC0];
	[tilespmem:s6+$0x30] =	vst v0;
	s8 =	sadd.s32 $0x80, s8;
	s6 =	smov.u32 s10  }
0x43: {  	s9 =	sadd.s32 $0x2, s9;
	v0 =	vld [tilespmem:s8+$0xFFFFFFC0]  }
0x44: {  	p0 =	slt.u32 s9, $0xC6;
	_ =	sdelay $0x3  }
0x45: {  	v0 =	vadd.f32 v0, v1;
	_ =	sdelay $0x1  }
0x46: {  	[tilespmem:s10+$0xFFFFFFC0] =	vst v0;
	v0 =	vld [tilespmem:s10+$0xFFFFFFD0]  }
0x47: {  	v1 =	vld [tilespmem:s8+$0xFFFFFFD0];
	_ =	sdelay $0x4  }
0x48: {  	v0 =	vadd.f32 v1, v0;
	_ =	sdelay $0x1  }
0x49: {  	[tilespmem:s10+$0xFFFFFFD0] =	vst v0;
	v0 =	vld [tilespmem:s10+$0xFFFFFFE0]  }
0x4a: {  	v1 =	vld [tilespmem:s8+$0xFFFFFFE0];
	_ =	sdelay $0x4  }
0x4b: {  	v0 =	vadd.f32 v1, v0;
	_ =	sdelay $0x1  }
0x4c: {  	[tilespmem:s10+$0xFFFFFFE0] =	vst v0;
	v0 =	vld [tilespmem:s10+$0xFFFFFFF0]  }
0x4d: {  	v1 =	vld [tilespmem:s8+$0xFFFFFFF0];
	_ =	sdelay $0x4  }
0x4e: {  	v0 =	vadd.f32 v1, v0;
	_ =	sdelay $0x1  }
0x4f: {  	[tilespmem:s10+$0xFFFFFFF0] =	vst v0;
	v0 =	vld [tilespmem:s10+$0x0]  }
0x50: {  	v1 =	vld [tilespmem:s8+$0x0];
	_ =	sdelay $0x4  }
0x51: {  	v0 =	vadd.f32 v1, v0;
	_ =	sdelay $0x1  }
0x52: {  	[tilespmem:s10+$0x0] =	vst v0;
	v0 =	vld [tilespmem:s10+$0x10]  }
0x53: {  	v1 =	vld [tilespmem:s8+$0x10];
	_ =	sdelay $0x4  }
0x54: {  	v0 =	vadd.f32 v1, v0;
	_ =	sdelay $0x1  }
0x55: {  	[tilespmem:s10+$0x10] =	vst v0;
	v0 =	vld [tilespmem:s10+$0x20]  }
0x56: {  	v1 =	vld [tilespmem:s8+$0x20];
	_ =	sdelay $0x4  }
0x57: {  	v0 =	vadd.f32 v1, v0;
	_ =	sdelay $0x1  }
0x58: {  	[tilespmem:s10+$0x20] =	vst v0;
	v0 =	vld [tilespmem:s10+$0x30]  }
0x59: {  	v1 =	vld [tilespmem:s8+$0x30];
	_ =	sdelay $0x1  }
.Ltmp0:
0x5a: {  	(pc) =	sbr.rel @p0 .LBB2_2-.Ltmp0, $3  }
0x5b: {  	_ =	sdelay $0x1  }
0x5c: {  	v0 =	vadd.f32 v1, v0  }
0x5d: {  	s10 =	sadd.s32 $0x80, s10  }
0x5e: {  	[tilespmem:s6+$0x30] =	vst v0;
	s11 =	rddreg [dreg:$0x6]  }
0x5f: {  	[hbm4b:s11+s3] =	stream.linear.scatter [tilespmem:s25], [sflag:$0x5], $0x3200, $0x38;
	[tilespmem:$0x9790] =	vst v63  }
0x60: {  	_ =	swait.ge [sflag:s23], $0xC8  }
0x61: {  	[sflag:s23] =	ssyncset.done $0x0  }
0x62: {  	[sflag:s23] =	ssyncadd.s32 $0xFFFFFF38  }
0x63: {  	_ =	swait.ge [sflag:s30], $0x3200  }
0x64: {  	[sflag:s30] =	ssyncset.done $0x0  }
0x65: {  	[sflag:s30] =	ssyncadd.s32 $0xFFFFCE00  }
0x66: {  	[tilespmem:s25], [sflag:$0x3] =	stream.indirect.gather [hbm4b:s5+s24], $0x40, s20, s24, $0xb8;
	[tilespmem:$0x9790] =	vst v63  }
0x67: {  	_ =	swait.ge [sflag:s31], $0x3200  }
0x68: {  	[sflag:s31] =	ssyncset.done $0x0  }
0x69: {  	s6 =	simm.s32 $0x65D0;
	s12 =	rddreg [dreg:$0x7];
	[sflag:s31] =	ssyncadd.s32 $0xFFFFCE00  }
0x6a: {  	[tilespmem:s21], [sflag:$0x2] =	stream.linear.gather [hbm4b:s12+s3], $0xC8, $0x38;
	[tilespmem:$0x9790] =	vst v63  }
0x6b: {  	s8 =	simm.s32 $0x40;
	v0 =	vld [tilespmem:s6+$0xFFFFFFC0]  }
0x6c: {  	v1 =	vld [tilespmem:s8+$0xFFFFFFC0];
	_ =	sdelay $0x4  }
0x6d: {  	v0 =	vadd.f32 v1, v0;
	_ =	sdelay $0x1  }
0x6e: {  	[tilespmem:s6+$0xFFFFFFC0] =	vst v0;
	v0 =	vld [tilespmem:s6+$0xFFFFFFD0]  }
0x6f: {  	v1 =	vld [tilespmem:s8+$0xFFFFFFD0];
	_ =	sdelay $0x4  }
0x70: {  	v0 =	vadd.f32 v1, v0;
	_ =	sdelay $0x1  }
0x71: {  	[tilespmem:s6+$0xFFFFFFD0] =	vst v0;
	v0 =	vld [tilespmem:s6+$0xFFFFFFE0]  }
0x72: {  	v1 =	vld [tilespmem:s8+$0xFFFFFFE0];
	_ =	sdelay $0x4  }
0x73: {  	v0 =	vadd.f32 v1, v0;
	_ =	sdelay $0x1  }
0x74: {  	[tilespmem:s6+$0xFFFFFFE0] =	vst v0;
	v0 =	vld [tilespmem:s6+$0xFFFFFFF0]  }
0x75: {  	v1 =	vld [tilespmem:s8+$0xFFFFFFF0];
	_ =	sdelay $0x4  }
0x76: {  	v0 =	vadd.f32 v1, v0;
	_ =	sdelay $0x1  }
0x77: {  	[tilespmem:s6+$0xFFFFFFF0] =	vst v0;
	v0 =	vld [tilespmem:s6+$0x0]  }
0x78: {  	v1 =	vld [tilespmem:s8+$0x0];
	_ =	sdelay $0x4  }
0x79: {  	v0 =	vadd.f32 v1, v0;
	_ =	sdelay $0x1  }
0x7a: {  	[tilespmem:s6+$0x0] =	vst v0;
	v0 =	vld [tilespmem:s6+$0x10]  }
0x7b: {  	v1 =	vld [tilespmem:s8+$0x10];
	_ =	sdelay $0x4  }
0x7c: {  	v0 =	vadd.f32 v1, v0;
	_ =	sdelay $0x1  }
0x7d: {  	[tilespmem:s6+$0x10] =	vst v0;
	v0 =	vld [tilespmem:s6+$0x20]  }
0x7e: {  	v1 =	vld [tilespmem:s8+$0x20];
	_ =	sdelay $0x4  }
0x7f: {  	v0 =	vadd.f32 v1, v0;
	_ =	sdelay $0x1  }
0x80: {  	[tilespmem:s6+$0x20] =	vst v0;
	v0 =	vld [tilespmem:s6+$0x30]  }
0x81: {  	v1 =	vld [tilespmem:s8+$0x30];
	_ =	sdelay $0x4  }
0x82: {  	v0 =	vadd.f32 v1, v0  }
0x83: {  	s9 =	simm.s32 $0x0;
	s10 =	simm.s32 $0x6650  }
.LBB2_4:
0x84: {  	v1 =	vld [tilespmem:s10+$0xFFFFFFC0];
	[tilespmem:s6+$0x30] =	vst v0;
	s8 =	sadd.s32 $0x80, s8;
	s6 =	smov.u32 s10  }
0x85: {  	s9 =	sadd.s32 $0x2, s9;
	v0 =	vld [tilespmem:s8+$0xFFFFFFC0]  }
0x86: {  	p0 =	slt.u32 s9, $0xC6;
	_ =	sdelay $0x3  }
0x87: {  	v0 =	vadd.f32 v0, v1;
	_ =	sdelay $0x1  }
0x88: {  	[tilespmem:s10+$0xFFFFFFC0] =	vst v0;
	v0 =	vld [tilespmem:s10+$0xFFFFFFD0]  }
0x89: {  	v1 =	vld [tilespmem:s8+$0xFFFFFFD0];
	_ =	sdelay $0x4  }
0x8a: {  	v0 =	vadd.f32 v1, v0;
	_ =	sdelay $0x1  }
0x8b: {  	[tilespmem:s10+$0xFFFFFFD0] =	vst v0;
	v0 =	vld [tilespmem:s10+$0xFFFFFFE0]  }
0x8c: {  	v1 =	vld [tilespmem:s8+$0xFFFFFFE0];
	_ =	sdelay $0x4  }
0x8d: {  	v0 =	vadd.f32 v1, v0;
	_ =	sdelay $0x1  }
0x8e: {  	[tilespmem:s10+$0xFFFFFFE0] =	vst v0;
	v0 =	vld [tilespmem:s10+$0xFFFFFFF0]  }
0x8f: {  	v1 =	vld [tilespmem:s8+$0xFFFFFFF0];
	_ =	sdelay $0x4  }
0x90: {  	v0 =	vadd.f32 v1, v0;
	_ =	sdelay $0x1  }
0x91: {  	[tilespmem:s10+$0xFFFFFFF0] =	vst v0;
	v0 =	vld [tilespmem:s10+$0x0]  }
0x92: {  	v1 =	vld [tilespmem:s8+$0x0];
	_ =	sdelay $0x4  }
0x93: {  	v0 =	vadd.f32 v1, v0;
	_ =	sdelay $0x1  }
0x94: {  	[tilespmem:s10+$0x0] =	vst v0;
	v0 =	vld [tilespmem:s10+$0x10]  }
0x95: {  	v1 =	vld [tilespmem:s8+$0x10];
	_ =	sdelay $0x4  }
0x96: {  	v0 =	vadd.f32 v1, v0;
	_ =	sdelay $0x1  }
0x97: {  	[tilespmem:s10+$0x10] =	vst v0;
	v0 =	vld [tilespmem:s10+$0x20]  }
0x98: {  	v1 =	vld [tilespmem:s8+$0x20];
	_ =	sdelay $0x4  }
0x99: {  	v0 =	vadd.f32 v1, v0;
	_ =	sdelay $0x1  }
0x9a: {  	[tilespmem:s10+$0x20] =	vst v0;
	v0 =	vld [tilespmem:s10+$0x30]  }
0x9b: {  	v1 =	vld [tilespmem:s8+$0x30];
	_ =	sdelay $0x1  }
.Ltmp1:
0x9c: {  	(pc) =	sbr.rel @p0 .LBB2_4-.Ltmp1, $3  }
0x9d: {  	_ =	sdelay $0x1  }
0x9e: {  	v0 =	vadd.f32 v1, v0  }
0x9f: {  	s10 =	sadd.s32 $0x80, s10  }
0xa0: {  	[tilespmem:s6+$0x30] =	vst v0;
	s6 =	simm.s32 $0x0;
	s8 =	rddreg [dreg:$0x8]  }
0xa1: {  	[hbm4b:s8+s6] =	stream.linear.scatter [tilespmem:s28], [sflag:$0x6], $0x3200, $0x38;
	[tilespmem:$0x9790] =	vst v63  }
.LBB2_6:
0xa2: {  	_ =	swait.ge [sflag:s26], $0xC8  }
0xa3: {  	[sflag:s26] =	ssyncset.done $0x0  }
0xa4: {  	[sflag:s26] =	ssyncadd.s32 $0xFFFFFF38  }
0xa5: {  	_ =	swait.ge [sflag:s0], $0x3200  }
0xa6: {  	[sflag:s0] =	ssyncset.done $0x0  }
0xa7: {  	s8 =	smul.u32 $0x190, s6;
	[sflag:s0] =	ssyncadd.s32 $0xFFFFCE00  }
0xa8: {  	[tilespmem:s28], [sflag:$0x4] =	stream.indirect.gather [hbm4b:s5+s24], $0x40, s21, s24, $0xb8;
	[tilespmem:$0x9790] =	vst v63  }
0xa9: {  	s9 =	sadd.s32 s8, s13;
	_ =	swait.ge [sflag:s29], $0x3200  }
0xaa: {  	s9 =	sshrl.u32 s9, $0x3;
	[sflag:s29] =	ssyncset.done $0x0  }
0xab: {  	s9 =	sadd.s32 s4, s9;
	[sflag:s29] =	ssyncadd.s32 $0xFFFFCE00  }
0xac: {  	[tilespmem:s20], [sflag:$0x1] =	stream.linear.gather [hbm4b:s9+s3], $0xC8, $0x38;
	[tilespmem:$0x9790] =	vst v63  }
0xad: {  	s9 =	simm.s32 $0x33D0  }
0xae: {  	s10 =	simm.s32 $0x40;
	v0 =	vld [tilespmem:s9+$0xFFFFFFC0]  }
0xaf: {  	v1 =	vld [tilespmem:s10+$0xFFFFFFC0];
	_ =	sdelay $0x4  }
0xb0: {  	v0 =	vadd.f32 v1, v0;
	_ =	sdelay $0x1  }
0xb1: {  	[tilespmem:s9+$0xFFFFFFC0] =	vst v0;
	v0 =	vld [tilespmem:s9+$0xFFFFFFD0]  }
0xb2: {  	v1 =	vld [tilespmem:s10+$0xFFFFFFD0];
	_ =	sdelay $0x4  }
0xb3: {  	v0 =	vadd.f32 v1, v0;
	_ =	sdelay $0x1  }
0xb4: {  	[tilespmem:s9+$0xFFFFFFD0] =	vst v0;
	v0 =	vld [tilespmem:s9+$0xFFFFFFE0]  }
0xb5: {  	v1 =	vld [tilespmem:s10+$0xFFFFFFE0];
	_ =	sdelay $0x4  }
0xb6: {  	v0 =	vadd.f32 v1, v0;
	_ =	sdelay $0x1  }
0xb7: {  	[tilespmem:s9+$0xFFFFFFE0] =	vst v0;
	v0 =	vld [tilespmem:s9+$0xFFFFFFF0]  }
0xb8: {  	v1 =	vld [tilespmem:s10+$0xFFFFFFF0];
	_ =	sdelay $0x4  }
0xb9: {  	v0 =	vadd.f32 v1, v0;
	_ =	sdelay $0x1  }
0xba: {  	[tilespmem:s9+$0xFFFFFFF0] =	vst v0;
	v0 =	vld [tilespmem:s9+$0x0]  }
0xbb: {  	v1 =	vld [tilespmem:s10+$0x0];
	_ =	sdelay $0x4  }
0xbc: {  	v0 =	vadd.f32 v1, v0;
	_ =	sdelay $0x1  }
0xbd: {  	[tilespmem:s9+$0x0] =	vst v0;
	v0 =	vld [tilespmem:s9+$0x10]  }
0xbe: {  	v1 =	vld [tilespmem:s10+$0x10];
	_ =	sdelay $0x4  }
0xbf: {  	v0 =	vadd.f32 v1, v0;
	_ =	sdelay $0x1  }
0xc0: {  	[tilespmem:s9+$0x10] =	vst v0;
	v0 =	vld [tilespmem:s9+$0x20]  }
0xc1: {  	v1 =	vld [tilespmem:s10+$0x20];
	_ =	sdelay $0x4  }
0xc2: {  	v0 =	vadd.f32 v1, v0;
	_ =	sdelay $0x1  }
0xc3: {  	[tilespmem:s9+$0x20] =	vst v0;
	v0 =	vld [tilespmem:s9+$0x30]  }
0xc4: {  	v1 =	vld [tilespmem:s10+$0x30];
	_ =	sdelay $0x4  }
0xc5: {  	v0 =	vadd.f32 v1, v0  }
0xc6: {  	s11 =	simm.s32 $0x0;
	s12 =	simm.s32 $0x3450  }
.LBB2_7:
0xc7: {  	v1 =	vld [tilespmem:s12+$0xFFFFFFC0];
	[tilespmem:s9+$0x30] =	vst v0;
	s10 =	sadd.s32 $0x80, s10;
	s9 =	smov.u32 s12  }
0xc8: {  	s11 =	sadd.s32 $0x2, s11;
	v0 =	vld [tilespmem:s10+$0xFFFFFFC0]  }
0xc9: {  	p0 =	slt.u32 s11, $0xC6;
	_ =	sdelay $0x3  }
0xca: {  	v0 =	vadd.f32 v0, v1;
	_ =	sdelay $0x1  }
0xcb: {  	[tilespmem:s12+$0xFFFFFFC0] =	vst v0;
	v0 =	vld [tilespmem:s12+$0xFFFFFFD0]  }
0xcc: {  	v1 =	vld [tilespmem:s10+$0xFFFFFFD0];
	_ =	sdelay $0x4  }
0xcd: {  	v0 =	vadd.f32 v1, v0;
	_ =	sdelay $0x1  }
0xce: {  	[tilespmem:s12+$0xFFFFFFD0] =	vst v0;
	v0 =	vld [tilespmem:s12+$0xFFFFFFE0]  }
0xcf: {  	v1 =	vld [tilespmem:s10+$0xFFFFFFE0];
	_ =	sdelay $0x4  }
0xd0: {  	v0 =	vadd.f32 v1, v0;
	_ =	sdelay $0x1  }
0xd1: {  	[tilespmem:s12+$0xFFFFFFE0] =	vst v0;
	v0 =	vld [tilespmem:s12+$0xFFFFFFF0]  }
0xd2: {  	v1 =	vld [tilespmem:s10+$0xFFFFFFF0];
	_ =	sdelay $0x4  }
0xd3: {  	v0 =	vadd.f32 v1, v0;
	_ =	sdelay $0x1  }
0xd4: {  	[tilespmem:s12+$0xFFFFFFF0] =	vst v0;
	v0 =	vld [tilespmem:s12+$0x0]  }
0xd5: {  	v1 =	vld [tilespmem:s10+$0x0];
	_ =	sdelay $0x4  }
0xd6: {  	v0 =	vadd.f32 v1, v0;
	_ =	sdelay $0x1  }
0xd7: {  	[tilespmem:s12+$0x0] =	vst v0;
	v0 =	vld [tilespmem:s12+$0x10]  }
0xd8: {  	v1 =	vld [tilespmem:s10+$0x10];
	_ =	sdelay $0x4  }
0xd9: {  	v0 =	vadd.f32 v1, v0;
	_ =	sdelay $0x1  }
0xda: {  	[tilespmem:s12+$0x10] =	vst v0;
	v0 =	vld [tilespmem:s12+$0x20]  }
0xdb: {  	v1 =	vld [tilespmem:s10+$0x20];
	_ =	sdelay $0x4  }
0xdc: {  	v0 =	vadd.f32 v1, v0;
	_ =	sdelay $0x1  }
0xdd: {  	[tilespmem:s12+$0x20] =	vst v0;
	v0 =	vld [tilespmem:s12+$0x30]  }
0xde: {  	v1 =	vld [tilespmem:s10+$0x30];
	_ =	sdelay $0x1  }
.Ltmp2:
0xdf: {  	(pc) =	sbr.rel @p0 .LBB2_7-.Ltmp2, $3  }
0xe0: {  	_ =	sdelay $0x1  }
0xe1: {  	v0 =	vadd.f32 v1, v0  }
0xe2: {  	s12 =	sadd.s32 $0x80, s12  }
0xe3: {  	s10 =	sadd.s32 s8, s14  }
0xe4: {  	s10 =	sshll.u32 s10, $0x3  }
0xe5: {  	s10 =	sand.u32 $0x1FFFFF80, s10  }
0xe6: {  	[tilespmem:s9+$0x30] =	vst v0;
	s11 =	sadd.s32 s2, s10  }
0xe7: {  	[hbm4b:s11+s3] =	stream.linear.scatter [tilespmem:s25], [sflag:$0x5], $0x3200, $0x38;
	[tilespmem:$0x9790] =	vst v63  }
0xe8: {  	_ =	swait.ge [sflag:s23], $0xC8  }
0xe9: {  	[sflag:s23] =	ssyncset.done $0x0  }
0xea: {  	[sflag:s23] =	ssyncadd.s32 $0xFFFFFF38  }
0xeb: {  	_ =	swait.ge [sflag:s30], $0x3200  }
0xec: {  	[sflag:s30] =	ssyncset.done $0x0  }
0xed: {  	[sflag:s30] =	ssyncadd.s32 $0xFFFFCE00  }
0xee: {  	[tilespmem:s25], [sflag:$0x3] =	stream.indirect.gather [hbm4b:s5+s24], $0x40, s20, s24, $0xb8;
	[tilespmem:$0x9790] =	vst v63  }
0xef: {  	s12 =	sadd.s32 s8, s15;
	_ =	swait.ge [sflag:s31], $0x3200  }
0xf0: {  	s9 =	sshrl.u32 s12, $0x3;
	[sflag:s31] =	ssyncset.done $0x0  }
0xf1: {  	s9 =	sadd.s32 s4, s9;
	[sflag:s31] =	ssyncadd.s32 $0xFFFFCE00  }
0xf2: {  	[tilespmem:s21], [sflag:$0x2] =	stream.linear.gather [hbm4b:s9+s3], $0xC8, $0x38;
	[tilespmem:$0x9790] =	vst v63  }
0xf3: {  	s9 =	simm.s32 $0x65D0  }
0xf4: {  	s10 =	simm.s32 $0x40;
	v0 =	vld [tilespmem:s9+$0xFFFFFFC0]  }
0xf5: {  	v1 =	vld [tilespmem:s10+$0xFFFFFFC0];
	_ =	sdelay $0x4  }
0xf6: {  	v0 =	vadd.f32 v1, v0;
	_ =	sdelay $0x1  }
0xf7: {  	[tilespmem:s9+$0xFFFFFFC0] =	vst v0;
	v0 =	vld [tilespmem:s9+$0xFFFFFFD0]  }
0xf8: {  	v1 =	vld [tilespmem:s10+$0xFFFFFFD0];
	_ =	sdelay $0x4  }
0xf9: {  	v0 =	vadd.f32 v1, v0;
	_ =	sdelay $0x1  }
0xfa: {  	[tilespmem:s9+$0xFFFFFFD0] =	vst v0;
	v0 =	vld [tilespmem:s9+$0xFFFFFFE0]  }
0xfb: {  	v1 =	vld [tilespmem:s10+$0xFFFFFFE0];
	_ =	sdelay $0x4  }
0xfc: {  	v0 =	vadd.f32 v1, v0;
	_ =	sdelay $0x1  }
0xfd: {  	[tilespmem:s9+$0xFFFFFFE0] =	vst v0;
	v0 =	vld [tilespmem:s9+$0xFFFFFFF0]  }
0xfe: {  	v1 =	vld [tilespmem:s10+$0xFFFFFFF0];
	_ =	sdelay $0x4  }
0xff: {  	v0 =	vadd.f32 v1, v0;
	_ =	sdelay $0x1  }
0x100: {  	[tilespmem:s9+$0xFFFFFFF0] =	vst v0;
	v0 =	vld [tilespmem:s9+$0x0]  }
0x101: {  	v1 =	vld [tilespmem:s10+$0x0];
	_ =	sdelay $0x4  }
0x102: {  	v0 =	vadd.f32 v1, v0;
	_ =	sdelay $0x1  }
0x103: {  	[tilespmem:s9+$0x0] =	vst v0;
	v0 =	vld [tilespmem:s9+$0x10]  }
0x104: {  	v1 =	vld [tilespmem:s10+$0x10];
	_ =	sdelay $0x4  }
0x105: {  	v0 =	vadd.f32 v1, v0;
	_ =	sdelay $0x1  }
0x106: {  	[tilespmem:s9+$0x10] =	vst v0;
	v0 =	vld [tilespmem:s9+$0x20]  }
0x107: {  	v1 =	vld [tilespmem:s10+$0x20];
	_ =	sdelay $0x4  }
0x108: {  	v0 =	vadd.f32 v1, v0;
	_ =	sdelay $0x1  }
0x109: {  	[tilespmem:s9+$0x20] =	vst v0;
	v0 =	vld [tilespmem:s9+$0x30]  }
0x10a: {  	v1 =	vld [tilespmem:s10+$0x30];
	_ =	sdelay $0x4  }
0x10b: {  	v0 =	vadd.f32 v1, v0  }
0x10c: {  	s12 =	simm.s32 $0x6650;
	s11 =	simm.s32 $0x0  }
.LBB2_9:
0x10d: {  	v1 =	vld [tilespmem:s12+$0xFFFFFFC0];
	[tilespmem:s9+$0x30] =	vst v0;
	s10 =	sadd.s32 $0x80, s10;
	s9 =	smov.u32 s12  }
0x10e: {  	s11 =	sadd.s32 $0x2, s11;
	v0 =	vld [tilespmem:s10+$0xFFFFFFC0]  }
0x10f: {  	p0 =	slt.u32 s11, $0xC6;
	_ =	sdelay $0x3  }
0x110: {  	v0 =	vadd.f32 v0, v1;
	_ =	sdelay $0x1  }
0x111: {  	[tilespmem:s12+$0xFFFFFFC0] =	vst v0;
	v0 =	vld [tilespmem:s12+$0xFFFFFFD0]  }
0x112: {  	v1 =	vld [tilespmem:s10+$0xFFFFFFD0];
	_ =	sdelay $0x4  }
0x113: {  	v0 =	vadd.f32 v1, v0;
	_ =	sdelay $0x1  }
0x114: {  	[tilespmem:s12+$0xFFFFFFD0] =	vst v0;
	v0 =	vld [tilespmem:s12+$0xFFFFFFE0]  }
0x115: {  	v1 =	vld [tilespmem:s10+$0xFFFFFFE0];
	_ =	sdelay $0x4  }
0x116: {  	v0 =	vadd.f32 v1, v0;
	_ =	sdelay $0x1  }
0x117: {  	[tilespmem:s12+$0xFFFFFFE0] =	vst v0;
	v0 =	vld [tilespmem:s12+$0xFFFFFFF0]  }
0x118: {  	v1 =	vld [tilespmem:s10+$0xFFFFFFF0];
	_ =	sdelay $0x4  }
0x119: {  	v0 =	vadd.f32 v1, v0;
	_ =	sdelay $0x1  }
0x11a: {  	[tilespmem:s12+$0xFFFFFFF0] =	vst v0;
	v0 =	vld [tilespmem:s12+$0x0]  }
0x11b: {  	v1 =	vld [tilespmem:s10+$0x0];
	_ =	sdelay $0x4  }
0x11c: {  	v0 =	vadd.f32 v1, v0;
	_ =	sdelay $0x1  }
0x11d: {  	[tilespmem:s12+$0x0] =	vst v0;
	v0 =	vld [tilespmem:s12+$0x10]  }
0x11e: {  	v1 =	vld [tilespmem:s10+$0x10];
	_ =	sdelay $0x4  }
0x11f: {  	v0 =	vadd.f32 v1, v0;
	_ =	sdelay $0x1  }
0x120: {  	[tilespmem:s12+$0x10] =	vst v0;
	v0 =	vld [tilespmem:s12+$0x20]  }
0x121: {  	v1 =	vld [tilespmem:s10+$0x20];
	_ =	sdelay $0x4  }
0x122: {  	v0 =	vadd.f32 v1, v0;
	_ =	sdelay $0x1  }
0x123: {  	[tilespmem:s12+$0x20] =	vst v0;
	v0 =	vld [tilespmem:s12+$0x30]  }
0x124: {  	v1 =	vld [tilespmem:s10+$0x30];
	_ =	sdelay $0x1  }
.Ltmp3:
0x125: {  	(pc) =	sbr.rel @p0 .LBB2_9-.Ltmp3, $3  }
0x126: {  	_ =	sdelay $0x1  }
0x127: {  	v0 =	vadd.f32 v1, v0  }
0x128: {  	s12 =	sadd.s32 $0x80, s12  }
0x129: {  	s6 =	sadd.s32 $0x1, s6  }
0x12a: {  	p0 =	sne.s32 s6, $0x3E  }
.Ltmp4:
0x12b: {  	s8 =	sadd.s32 s8, s16;
	(pc) =	sbr.rel @p0 .LBB2_6-.Ltmp4, $4  }
0x12c: {  	s8 =	sshll.u32 s8, $0x3  }
0x12d: {  	s8 =	sand.u32 $0x1FFFFFC0, s8  }
0x12e: {  	[tilespmem:s9+$0x30] =	vst v0;
	s8 =	sadd.s32 s2, s8  }
0x12f: {  	[hbm4b:s8+s3] =	stream.linear.scatter [tilespmem:s28], [sflag:$0x6], $0x3200, $0x38;
	[tilespmem:$0x9790] =	vst v63  }
0x130: {  	_ =	swait.ge [sflag:s26], $0xC8  }
0x131: {  	[sflag:s26] =	ssyncset.done $0x0  }
0x132: {  	[sflag:s26] =	ssyncadd.s32 $0xFFFFFF38  }
0x133: {  	_ =	swait.ge [sflag:s0], $0x3200  }
0x134: {  	[sflag:s0] =	ssyncset.done $0x0  }
0x135: {  	[sflag:s0] =	ssyncadd.s32 $0xFFFFCE00  }
0x136: {  	[tilespmem:s28], [sflag:$0x4] =	stream.indirect.gather [hbm4b:s5+s24], $0x40, s21, s24, $0xb8;
	[tilespmem:$0x9790] =	vst v63  }
0x137: {  	_ =	swait.ge [sflag:s29], $0x3200  }
0x138: {  	[sflag:s29] =	ssyncset.done $0x0  }
0x139: {  	s6 =	simm.s32 $0x33D0;
	[sflag:s29] =	ssyncadd.s32 $0xFFFFCE00  }
0x13a: {  	s8 =	simm.s32 $0x40;
	v0 =	vld [tilespmem:s6+$0xFFFFFFC0]  }
0x13b: {  	v1 =	vld [tilespmem:s8+$0xFFFFFFC0];
	_ =	sdelay $0x4  }
0x13c: {  	v0 =	vadd.f32 v1, v0;
	_ =	sdelay $0x1  }
0x13d: {  	[tilespmem:s6+$0xFFFFFFC0] =	vst v0;
	v0 =	vld [tilespmem:s6+$0xFFFFFFD0]  }
0x13e: {  	v1 =	vld [tilespmem:s8+$0xFFFFFFD0];
	_ =	sdelay $0x4  }
0x13f: {  	v0 =	vadd.f32 v1, v0;
	_ =	sdelay $0x1  }
0x140: {  	[tilespmem:s6+$0xFFFFFFD0] =	vst v0;
	v0 =	vld [tilespmem:s6+$0xFFFFFFE0]  }
0x141: {  	v1 =	vld [tilespmem:s8+$0xFFFFFFE0];
	_ =	sdelay $0x4  }
0x142: {  	v0 =	vadd.f32 v1, v0;
	_ =	sdelay $0x1  }
0x143: {  	[tilespmem:s6+$0xFFFFFFE0] =	vst v0;
	v0 =	vld [tilespmem:s6+$0xFFFFFFF0]  }
0x144: {  	v1 =	vld [tilespmem:s8+$0xFFFFFFF0];
	_ =	sdelay $0x4  }
0x145: {  	v0 =	vadd.f32 v1, v0;
	_ =	sdelay $0x1  }
0x146: {  	[tilespmem:s6+$0xFFFFFFF0] =	vst v0;
	v0 =	vld [tilespmem:s6+$0x0]  }
0x147: {  	v1 =	vld [tilespmem:s8+$0x0];
	_ =	sdelay $0x4  }
0x148: {  	v0 =	vadd.f32 v1, v0;
	_ =	sdelay $0x1  }
0x149: {  	[tilespmem:s6+$0x0] =	vst v0;
	v0 =	vld [tilespmem:s6+$0x10]  }
0x14a: {  	v1 =	vld [tilespmem:s8+$0x10];
	_ =	sdelay $0x4  }
0x14b: {  	v0 =	vadd.f32 v1, v0;
	_ =	sdelay $0x1  }
0x14c: {  	[tilespmem:s6+$0x10] =	vst v0;
	v0 =	vld [tilespmem:s6+$0x20]  }
0x14d: {  	v1 =	vld [tilespmem:s8+$0x20];
	_ =	sdelay $0x4  }
0x14e: {  	v0 =	vadd.f32 v1, v0;
	_ =	sdelay $0x1  }
0x14f: {  	[tilespmem:s6+$0x20] =	vst v0;
	v0 =	vld [tilespmem:s6+$0x30]  }
0x150: {  	v1 =	vld [tilespmem:s8+$0x30];
	_ =	sdelay $0x4  }
0x151: {  	v0 =	vadd.f32 v1, v0  }
0x152: {  	s9 =	simm.s32 $0x0;
	s10 =	simm.s32 $0x3450  }
.LBB2_12:
0x153: {  	v1 =	vld [tilespmem:s10+$0xFFFFFFC0];
	[tilespmem:s6+$0x30] =	vst v0;
	s8 =	sadd.s32 $0x80, s8;
	s6 =	smov.u32 s10  }
0x154: {  	s9 =	sadd.s32 $0x2, s9;
	v0 =	vld [tilespmem:s8+$0xFFFFFFC0]  }
0x155: {  	p0 =	slt.u32 s9, $0xC6;
	_ =	sdelay $0x3  }
0x156: {  	v0 =	vadd.f32 v0, v1;
	_ =	sdelay $0x1  }
0x157: {  	[tilespmem:s10+$0xFFFFFFC0] =	vst v0;
	v0 =	vld [tilespmem:s10+$0xFFFFFFD0]  }
0x158: {  	v1 =	vld [tilespmem:s8+$0xFFFFFFD0];
	_ =	sdelay $0x4  }
0x159: {  	v0 =	vadd.f32 v1, v0;
	_ =	sdelay $0x1  }
0x15a: {  	[tilespmem:s10+$0xFFFFFFD0] =	vst v0;
	v0 =	vld [tilespmem:s10+$0xFFFFFFE0]  }
0x15b: {  	v1 =	vld [tilespmem:s8+$0xFFFFFFE0];
	_ =	sdelay $0x4  }
0x15c: {  	v0 =	vadd.f32 v1, v0;
	_ =	sdelay $0x1  }
0x15d: {  	[tilespmem:s10+$0xFFFFFFE0] =	vst v0;
	v0 =	vld [tilespmem:s10+$0xFFFFFFF0]  }
0x15e: {  	v1 =	vld [tilespmem:s8+$0xFFFFFFF0];
	_ =	sdelay $0x4  }
0x15f: {  	v0 =	vadd.f32 v1, v0;
	_ =	sdelay $0x1  }
0x160: {  	[tilespmem:s10+$0xFFFFFFF0] =	vst v0;
	v0 =	vld [tilespmem:s10+$0x0]  }
0x161: {  	v1 =	vld [tilespmem:s8+$0x0];
	_ =	sdelay $0x4  }
0x162: {  	v0 =	vadd.f32 v1, v0;
	_ =	sdelay $0x1  }
0x163: {  	[tilespmem:s10+$0x0] =	vst v0;
	v0 =	vld [tilespmem:s10+$0x10]  }
0x164: {  	v1 =	vld [tilespmem:s8+$0x10];
	_ =	sdelay $0x4  }
0x165: {  	v0 =	vadd.f32 v1, v0;
	_ =	sdelay $0x1  }
0x166: {  	[tilespmem:s10+$0x10] =	vst v0;
	v0 =	vld [tilespmem:s10+$0x20]  }
0x167: {  	v1 =	vld [tilespmem:s8+$0x20];
	_ =	sdelay $0x4  }
0x168: {  	v0 =	vadd.f32 v1, v0;
	_ =	sdelay $0x1  }
0x169: {  	[tilespmem:s10+$0x20] =	vst v0;
	v0 =	vld [tilespmem:s10+$0x30]  }
0x16a: {  	v1 =	vld [tilespmem:s8+$0x30];
	_ =	sdelay $0x1  }
.Ltmp5:
0x16b: {  	(pc) =	sbr.rel @p0 .LBB2_12-.Ltmp5, $3  }
0x16c: {  	_ =	sdelay $0x1  }
0x16d: {  	v0 =	vadd.f32 v1, v0  }
0x16e: {  	s10 =	sadd.s32 $0x80, s10  }
0x16f: {  	[tilespmem:s6+$0x30] =	vst v0  }
0x170: {  	[hbm4b:s17+s3] =	stream.linear.scatter [tilespmem:s25], [sflag:$0x5], $0x3200, $0x38;
	[tilespmem:$0x9790] =	vst v63  }
0x171: {  	_ =	swait.ge [sflag:s31], $0x3200  }
0x172: {  	[sflag:s31] =	ssyncset.done $0x0  }
0x173: {  	s6 =	simm.s32 $0x65D0;
	[sflag:s31] =	ssyncadd.s32 $0xFFFFCE00  }
0x174: {  	s8 =	simm.s32 $0x40;
	v0 =	vld [tilespmem:s6+$0xFFFFFFC0]  }
0x175: {  	v1 =	vld [tilespmem:s8+$0xFFFFFFC0];
	_ =	sdelay $0x4  }
0x176: {  	v0 =	vadd.f32 v1, v0;
	_ =	sdelay $0x1  }
0x177: {  	[tilespmem:s6+$0xFFFFFFC0] =	vst v0;
	v0 =	vld [tilespmem:s6+$0xFFFFFFD0]  }
0x178: {  	v1 =	vld [tilespmem:s8+$0xFFFFFFD0];
	_ =	sdelay $0x4  }
0x179: {  	v0 =	vadd.f32 v1, v0;
	_ =	sdelay $0x1  }
0x17a: {  	[tilespmem:s6+$0xFFFFFFD0] =	vst v0;
	v0 =	vld [tilespmem:s6+$0xFFFFFFE0]  }
0x17b: {  	v1 =	vld [tilespmem:s8+$0xFFFFFFE0];
	_ =	sdelay $0x4  }
0x17c: {  	v0 =	vadd.f32 v1, v0;
	_ =	sdelay $0x1  }
0x17d: {  	[tilespmem:s6+$0xFFFFFFE0] =	vst v0;
	v0 =	vld [tilespmem:s6+$0xFFFFFFF0]  }
0x17e: {  	v1 =	vld [tilespmem:s8+$0xFFFFFFF0];
	_ =	sdelay $0x4  }
0x17f: {  	v0 =	vadd.f32 v1, v0;
	_ =	sdelay $0x1  }
0x180: {  	[tilespmem:s6+$0xFFFFFFF0] =	vst v0;
	v0 =	vld [tilespmem:s6+$0x0]  }
0x181: {  	v1 =	vld [tilespmem:s8+$0x0];
	_ =	sdelay $0x4  }
0x182: {  	v0 =	vadd.f32 v1, v0;
	_ =	sdelay $0x1  }
0x183: {  	[tilespmem:s6+$0x0] =	vst v0;
	v0 =	vld [tilespmem:s6+$0x10]  }
0x184: {  	v1 =	vld [tilespmem:s8+$0x10];
	_ =	sdelay $0x4  }
0x185: {  	v0 =	vadd.f32 v1, v0;
	_ =	sdelay $0x1  }
0x186: {  	[tilespmem:s6+$0x10] =	vst v0;
	v0 =	vld [tilespmem:s6+$0x20]  }
0x187: {  	v1 =	vld [tilespmem:s8+$0x20];
	_ =	sdelay $0x4  }
0x188: {  	v0 =	vadd.f32 v1, v0;
	_ =	sdelay $0x1  }
0x189: {  	[tilespmem:s6+$0x20] =	vst v0;
	v0 =	vld [tilespmem:s6+$0x30]  }
0x18a: {  	v1 =	vld [tilespmem:s8+$0x30];
	_ =	sdelay $0x4  }
0x18b: {  	v0 =	vadd.f32 v1, v0  }
0x18c: {  	s9 =	simm.s32 $0x0;
	s10 =	simm.s32 $0x6650  }
.LBB2_14:
0x18d: {  	v1 =	vld [tilespmem:s10+$0xFFFFFFC0];
	[tilespmem:s6+$0x30] =	vst v0;
	s8 =	sadd.s32 $0x80, s8;
	s6 =	smov.u32 s10  }
0x18e: {  	s9 =	sadd.s32 $0x2, s9;
	v0 =	vld [tilespmem:s8+$0xFFFFFFC0]  }
0x18f: {  	p0 =	slt.u32 s9, $0xC6;
	_ =	sdelay $0x3  }
0x190: {  	v0 =	vadd.f32 v0, v1;
	_ =	sdelay $0x1  }
0x191: {  	[tilespmem:s10+$0xFFFFFFC0] =	vst v0;
	v0 =	vld [tilespmem:s10+$0xFFFFFFD0]  }
0x192: {  	v1 =	vld [tilespmem:s8+$0xFFFFFFD0];
	_ =	sdelay $0x4  }
0x193: {  	v0 =	vadd.f32 v1, v0;
	_ =	sdelay $0x1  }
0x194: {  	[tilespmem:s10+$0xFFFFFFD0] =	vst v0;
	v0 =	vld [tilespmem:s10+$0xFFFFFFE0]  }
0x195: {  	v1 =	vld [tilespmem:s8+$0xFFFFFFE0];
	_ =	sdelay $0x4  }
0x196: {  	v0 =	vadd.f32 v1, v0;
	_ =	sdelay $0x1  }
0x197: {  	[tilespmem:s10+$0xFFFFFFE0] =	vst v0;
	v0 =	vld [tilespmem:s10+$0xFFFFFFF0]  }
0x198: {  	v1 =	vld [tilespmem:s8+$0xFFFFFFF0];
	_ =	sdelay $0x4  }
0x199: {  	v0 =	vadd.f32 v1, v0;
	_ =	sdelay $0x1  }
0x19a: {  	[tilespmem:s10+$0xFFFFFFF0] =	vst v0;
	v0 =	vld [tilespmem:s10+$0x0]  }
0x19b: {  	v1 =	vld [tilespmem:s8+$0x0];
	_ =	sdelay $0x4  }
0x19c: {  	v0 =	vadd.f32 v1, v0;
	_ =	sdelay $0x1  }
0x19d: {  	[tilespmem:s10+$0x0] =	vst v0;
	v0 =	vld [tilespmem:s10+$0x10]  }
0x19e: {  	v1 =	vld [tilespmem:s8+$0x10];
	_ =	sdelay $0x4  }
0x19f: {  	v0 =	vadd.f32 v1, v0;
	_ =	sdelay $0x1  }
0x1a0: {  	[tilespmem:s10+$0x10] =	vst v0;
	v0 =	vld [tilespmem:s10+$0x20]  }
0x1a1: {  	v1 =	vld [tilespmem:s8+$0x20];
	_ =	sdelay $0x4  }
0x1a2: {  	v0 =	vadd.f32 v1, v0;
	_ =	sdelay $0x1  }
0x1a3: {  	[tilespmem:s10+$0x20] =	vst v0;
	v0 =	vld [tilespmem:s10+$0x30]  }
0x1a4: {  	v1 =	vld [tilespmem:s8+$0x30];
	_ =	sdelay $0x1  }
.Ltmp6:
0x1a5: {  	(pc) =	sbr.rel @p0 .LBB2_14-.Ltmp6, $3  }
0x1a6: {  	_ =	sdelay $0x1  }
0x1a7: {  	v0 =	vadd.f32 v1, v0  }
0x1a8: {  	s10 =	sadd.s32 $0x80, s10  }
0x1a9: {  	[tilespmem:s6+$0x30] =	vst v0;
	s1 =	sadd.s32 $0x1, s1  }
0x1aa: {  	[hbm4b:s18+s3] =	stream.linear.scatter [tilespmem:s28], [sflag:$0x6], $0x3200, $0x38;
	[tilespmem:$0x9790] =	vst v63  }
0x1ab: {  	p0 =	sne.s32 s1, s19;
	_ =	swait.ge [sflag:s30], $0x3200  }
.Ltmp7:
0x1ac: {  	[sflag:s30] =	ssyncset.done $0x0;
	(pc) =	sbr.rel @p0 .LBB2_1-.Ltmp7, $4  }
0x1ad: {  	[sflag:s30] =	ssyncadd.s32 $0xFFFFCE00  }
0x1ae: {  	_ =	swait.ge [sflag:s0], $0x3200  }
0x1af: {  	[sflag:s0] =	ssyncset.done $0x0  }
0x1b0: {  	[sflag:s0] =	ssyncadd.s32 $0xFFFFCE00  }
0x1b1: {  	_ =	sfence.sel $0x180000  }
0x1b2: {  	[bflag:$0x0] =	sbarrier.arrive $0xFFFF  }
0x1b3: {  	_ =	strace $0x90000047  }
0x1b4: {  	s0 =	stileid.u32;
	[bflag:$0x2] =	sbarrier.arrive $0xFFFF  }
0x1b5: {  	p0 =	sne.s32 s0, $0x0;
	s0 =	rddreg [dreg:$0x2]  }
0x1b6: {  	s0 =	sadd.s32 @!p0 $0x100000, s0  }
0x1b7: {  	[sflag:s0] =	ssyncadd.tile.s32 @!p0 $0x1;
	_ =	shalt  }
.Lfunc_end2:
_tile_overlayer_lowered:
.L_overlay_start_2:
0x1b8: {  	(tag) =	ssettag $0x2  }
0x1b9: {  	s0 =	rddreg [dreg:$0x0];
	s2 =	stileid.u32  }
0x1ba: {  	s1 =	rddreg [dreg:$0x1];
	p0 =	sne.s32 s2, $0x0  }
0x1bb: {  	s3 =	rddreg [dreg:$0x2];
	[bflag:$0x3] =	sbarrier.arrive $0xFFFF;
	s2 =	simm.s32 @!p0 $0x1C07  }
0x1bc: {  	[timem:s3], [sflag:s2] =	dma.local @!p0 [hbm:s0], s1  }
0x1bd: {  	s0 =	simm.s32 @!p0 $0x7  }
0x1be: {  	_ =	swait.ge @!p0 [sflag:s0], s1  }
0x1bf: {  	s1 =	ssub.s32 @!p0 $0x0, s1;
	[sflag:s0] =	ssyncset.done @!p0 $0x0  }
0x1c0: {  	[sflag:s0] =	ssyncadd.s32 @!p0 s1  }
0x1c1: {  	[bflag:$0x3] =	sbarrier.arrive $0xFFFF  }
0x1c2: {  	_ =	shalt  }

// kernel: sparse-core-data-format-call.cloned.1.call-start
scs
called_computation_lowered:
.L_overlay_start_0:
0x0: {  	s2 =	sld [smem:$0x3FD9]  }
0x1: {  	s3 =	sld [smem:$0x3FFE];
	_ =	sdelay $0x1  }
0x2: {  	s1 =	srdreg.scid  }
0x3: {  	s0 =	sand.u32 $0x1, s1  }
0x4: {  	s18 =	sshll.u32 s0, $0xA;
	s2 =	sadd.s32 s3, s2  }
0x5: {  	s2 =	sadd.s32 s2, s18  }
0x6: {  	[smem:$0x3FC5] =	sst s2  }
0x7: {  	_ = 	snop  }
0x8: {  	s2 =	sld [smem:$0x3FD0];
	(tm) =	ssettm $0x1  }
0x9: {  	s19 =	sld [smem:$0x3FFB];
	_ =	sdelay $0x3  }
0xa: {  	_ =	strace s19  }
0xb: {  	s3 =	sld [smem:$0x3FFC];
	_ =	sdelay $0x3  }
0xc: {  	_ =	strace s3  }
0xd: {  	s3 =	sld [smem:$0x3FFD];
	_ =	sdelay $0x3  }
0xe: {  	_ =	strace s3  }
0xf: {  	_ =	strace $0x8FFFFFFF  }
0x10: {  	s20 =	sld [smem:$0x3FDB];
	_ =	sdelay $0x1  }
0x11: {  	s4 =	simm.s32 $_scs_section_size  }
0x12: {  	s5 =	simm.s32 $_size__tile_overlayer_lowered;
	s6 =	simm.s32 $_tile_overlayer_lowered  }
0x13: {  	s23 =	simm.s32 $0x1BFF;
	s22 =	sshll.u32 s6, $0x1;
	s3 =	sadd.s32 s4, s20  }
0x14: {  	s7 =	simm.s32 $0x0;
	s21 =	sshll.u32 s5, $0x1;
	s5 =	sadd.s32 s22, s3  }
0x15: {  	[timem:s7], [sflag:s23] =	dma.local [hbm:s5], s21  }
0x16: {  	_ =	swait.ge [sflag:s23], s21  }
0x17: {  	s4 =	ssub.s32 $0x0, s21;
	[sflag:s23] =	ssyncset.done $0x0  }
0x18: {  	[sflag:s23] =	ssyncadd.s32 s4;
	_ =	sdelay $0x1  }
0x19: {  	s24 =	simm.s32 $0x1B8B  }
0x1a: {  	_ =	swait.ge [sflag:s24], $0x1  }
0x1b: {  	[sflag:s24] =	ssyncset.done $0x0  }
0x1c: {  	s26 =	simm.s32 $0x1B8E;
	s25 =	sld [smem:$0x3FFE];
	[sflag:s24] =	ssyncadd.s32 $0xFFFFFFFF  }
0x1d: {  	s27 =	simm.s32 $execute0_lowered;
	[smem:$0x3FD2] =	sst s26  }
0x1e: {  	s5 =	sshll.u32 s27, $0x1;
	_ =	strace $0x80000049;
	[dreg:$0x1] =	wrdreg $0xFFFFFFFF  }
0x1f: {  	s28 =	simm.s32 $_size_execute0_lowered;
	s3 =	sadd.s32 s3, s5;
	[dreg:$0x0] =	wrdreg $0x0  }
0x20: {  	s5 =	sshll.u32 s28, $0x1;
	[dreg:$0x2] =	wrdreg s3  }
0x21: {  	[dreg:$0x3] =	wrdreg s5  }
0x22: {  	[dreg:$0x4] =	wrdreg $0xC0  }
0x23: {  	_ =	task [dreg:s7], $0x5FFFF  }
0x24: {  	[dreg:$0x1] =	wrdreg $0xFFFFFFFF  }
0x25: {  	[dreg:$0x0] =	wrdreg $0x60  }
0x26: {  	[dreg:$0x2] =	wrdreg s25  }
0x27: {  	[dreg:$0x3] =	wrdreg s2  }
0x28: {  	[dreg:$0x4] =	wrdreg $0x9  }
0x29: {  	_ =	task.clear_ibuf [dreg:s7], $0x5FFFF;
	_ =	strace $0x90000049  }
0x2a: {  	s29 =	simm.s32 $0x9;
	_ =	strace $0x8000004B  }
0x2b: {  	_ =	swait.ge [sflag:s29], $0x1  }
0x2c: {  	[sflag:s29] =	ssyncadd.s32 $0xFFFFFFFF  }
0x2d: {  	_ =	strace $0x9000004B  }
0x2e: {  	_ =	sfence  }
0x2f: {  	s30 =	sld [smem:$0x0];
	_ =	sdelay $0x2  }
0x30: {  	s31 =	sshll.u32 s1, $0xD;
	s1 =	sshrl.u32 s1, $0x2  }
0x31: {  	s3 =	sand.u32 $0x4000, s31;
	s1 =	sadd.s32 s1, s30  }
0x32: {  	s0 =	sor.u32 s3, s0;
	s1 =	sshll.u32 s1, $0x11  }
0x33: {  	s0 =	sor.u32 s1, s0  }
0x34: {  	s0 =	sadd.s32 $0x8F2B, s0  }
0x35: {  	[sflag:s0] =	ssyncadd.remote.s32 $0x1  }
0x36: {  	_ =	sfence.sel $0xFFFF  }
0x37: {  	[dreg:$0x0] =	wrdreg $0xFFFFFFFF;
	(pc) =	sbr.abs _section_cstart, $3  }
0x38: {  	[dreg:$0x1] =	wrdreg $0xFFFFFFFF  }
0x39: {  	_ =	task.clear_ibuf [dreg:s7], $0x2FFFF;
	_ =	strace $0x9FFFFFFF  }
0x3a: {  	(tm) =	ssettm $0x7FFFFFFF  }
0x3b: {  	_ =	shalt  }
tec
execute0_lowered:
.L_overlay_start_1:
0x0: {  	(tag) =	ssettag $0x1  }
0x1: {  	s0 =	srdreg.scid  }
0x2: {  	s1 =	sshll.u32 s0, $0x4  }
0x3: {  	s0 =	stileid.u32;
	s1 =	sand.u32 $0x10, s1  }
0x4: {  	s1 =	sor.u32 s0, s1  }
0x5: {  	s6 =	rddreg [dreg:$0x0];
	s4 =	simm.s32 $0x1;
	s2 =	sshll.u32 s1, $0x7  }
0x6: {  	s7 =	simm.s32 $0x2;
	s12 =	simm.s32 $0x0;
	s1 =	ssub.s32 $0x1000, s2  }
0x7: {  	s8 =	simm.s32 $0x8000;
	s13 =	simm.s32 $0x0;
	s3 =	sand.u32 $0xF80, s1  }
0x8: {  	s9 =	simm.s32 $0x0;
	s5 =	sshrl.u32 s1, $0xC;
	p0 =	sne.s32 s3, $0x0  }
.Ltmp0:
0x9: {  	s1 =	rddreg [dreg:$0x2];
	s4 =	simm.s32 @!p0 $0x0;
	(pc) =	sbr.rel .LBB1_1-.Ltmp0, $4  }
0xa: {  	s11 =	simm.s32 $0x0;
	s3 =	rddreg [dreg:$0x1];
	s5 =	sadd.s32 s4, s5  }
0xb: {  	_ =	strace $0x8000004A;
	s4 =	simm.s32 $0x1;
	s5 =	smul.u32 $0xC8, s5  }
0xc: {  	s6 =	sadd.s32 $0xC00, s6;
	s10 =	smov.u32 s2;
	[sflag:s4] =	ssyncpa.u1 $0x0  }
0xd: {  	p0 =	por $0x0, $0x0;
	[sflag:s7] =	ssyncpa.u1 $0x0;
	s7 =	sor.u32 $0x1, s5  }
.LBB1_4:
0xe: {  	s16 =	sshll.u32 s13, $0x3;
	s17 =	sand.u32 $0x78, s13  }
0xf: {  	s30 =	sand.u32 $0x7E00, s13;
	s12 =	sshll.u32 s12, $0xF;
	s16 =	sand.u32 $0xC00, s16  }
0x10: {  	[tilespmem:s15+$0x810 ss:$0x81] =	vst.msk $0xffff, v2;
	s31 =	sand.u32 $0x7, s13;
	s16 =	sor.u32 s17, s16;
	s17 =	sadd.s32 s3, s30  }
0x11: {  	[tilespmem:s15+$0x1020 ss:$0x81] =	vst.msk $0xffff, v0;
	s13 =	sshll.u32 s31, $0x12;
	s12 =	sadd.s32 s12, s17;
	s16 =	sshrl.u32 s16, $0x3  }
0x12: {  	[tilespmem:s15+$0x0 ss:$0x81] =	vst.msk $0xffff, v1;
	s13 =	sor.u32 $0x400, s13;
	s12 =	sadd.s32 s16, s12  }
0x13: {  	[hbm4b:s12+s13] =	stream.strided.scatter [tilespmem:s14], [sflag:$0x2], $0x2000, s8, s13, $0x20;
	[tilespmem:$0x8080] =	vst v63  }
.LBB1_5:
0x14: {  	s14 =	sadd.s32 $0x1, s9  }
0x15: {  	s12 =	sadd.s32 $0x1000, s10;
	s16 =	smov.u32 s10;
	p2 =	sgt.s32 s14, $0xC7  }
0x16: {  	s16 =	smov.u32 @p2 s12  }
0x17: {  	s14 =	simm.s32 @p2 $0x0;
	p2 =	sgt.s32 s16, $0xFFF  }
0x18: {  	s16 =	smov.u32 @p2 s2;
	p2 =	sne.s32 s11, s7  }
.Ltmp1:
0x19: {  	p1 =	slt.u32 s11, $0x2;
	(pc) =	sbr.rel @!p2 .LBB1_6-.Ltmp1, $4  }
0x1a: {  	s15 =	simm.s32 @!p1 $0x2  }
0x1b: {  	s13 =	smov.u32 s10;
	p0 =	por !p0, !p0;
	_ =	swait.ge @!p1 [sflag:s15], $0x2000  }
0x1c: {  	s12 =	smov.u32 s9;
	[sflag:s15] =	ssyncset.done @!p1 $0x0;
	s9 =	smov.u32 s14  }
0x1d: {  	s11 =	sadd.s32 $0x1, s11;
	[sflag:s15] =	ssyncadd.s32 @!p1 $0xFFFFE000;
	s10 =	smov.u32 s16  }
.LBB1_1:
0x1e: {  	p1 =	sge.u32 s11, s5  }
0x1f: {  	s14 =	sand.u32 @!p1 $0x1FFFFFF, s9  }
0x20: {  	s15 =	smulhi.u32 @!p1 $0x147AE15, s14;
	_ =	sdelay $0x1  }
0x21: {  	s15 =	smul.u32 @!p1 $0xC8, s15  }
0x22: {  	s16 =	sxor.u32 @!p1 $0xFFFFFFFF, s11;
	s17 =	smul.u32 @!p1 $0xC80, s10  }
0x23: {  	s31 =	sadd.s32 $0xFFFFFFFF, s11;
	s16 =	sshll.u32 @!p1 s16, $0xD;
	s14 =	ssub.s32 @!p1 s14, s15  }
0x24: {  	s15 =	sand.u32 @!p1 $0x2000, s16;
	s16 =	sadd.s32 @!p1 s6, s17;
	s14 =	sshll.u32 @!p1 s14, $0x4  }
0x25: {  	s17 =	simm.s32 @!p1 $0x6400;
	s14 =	sadd.s32 @!p1 s14, s16;
	s16 =	simm.s32 @!p1 $0x40  }
0x26: {  	[tilespmem:s15], [sflag:$0x1] =	stream.strided.gather @!p1 [hbm4b:s14+s16], $0x2000, s17, s16, $0x38;
	[tilespmem:$0x8080] =	vst v63  }
0x27: {  	p1 =	sge.u32 s31, s5  }
.Ltmp2:
0x28: {  	_ = 	snop;
	(pc) =	sbr.rel @p1 .LBB1_5-.Ltmp2, $1  }
0x29: {  	_ =	sdelay $0x3  }
0x2a: {  	s14 =	simm.s32 $0x1  }
0x2b: {  	_ =	swait.ge [sflag:s4], $0x2000;
	s14 =	simm.s32 @!p0 $0x0  }
0x2c: {  	[sflag:s4] =	ssyncset.done $0x0;
	s15 =	sshll.u32 s14, $0xD  }
0x2d: {  	[sflag:s4] =	ssyncadd.s32 $0xFFFFE000;
	s18 =	sor.u32 $0x20, s15  }
0x2e: {  	s14 =	smul.u32 $0x8100, s14;
	v3 =	vld [tilespmem:s18+$0x10]  }
0x2f: {  	s30 =	sand.u32 $0x1, s11;
	v2 =	vld [tilespmem:s18+$0xFFFFFFF0]  }
0x30: {  	s15 =	smul.u32 $0x8100, s30;
	s14 =	sshrl.u32 s14, $0x2;
	v0 =	vld [tilespmem:s18+$0x0]  }
0x31: {  	v1 =	vld [tilespmem:s18+$0xFFFFFFE0];
	s16 =	sor.u32 $0x4000, s14  }
0x32: {  	s31 =	sshrl.u32 s15, $0x2;
	s15 =	sadd.s32 $0x0, s16  }
0x33: {  	s17 =	simm.s32 $0x4;
	s18 =	sadd.s32 $0x40, s18;
	s14 =	sor.u32 $0x4000, s31;
	[tilespmem:s15+$0x1830 ss:$0x81] =	vst.msk $0xffff, v3  }
.LBB1_3:
0x34: {  	v3 =	vld [tilespmem:s18+$0x10];
	p1 =	sne.s32 s17, $0x1FC;
	[tilespmem:s15+$0x810 ss:$0x81] =	vst.msk $0xffff, v2;
	s19 =	smov.u32 s17;
	s17 =	sadd.s32 $0x4, s17  }
.Ltmp3:
0x35: {  	v2 =	vld [tilespmem:s18+$0xFFFFFFF0];
	[tilespmem:s15+$0x1020 ss:$0x81] =	vst.msk $0xffff, v0;
	(pc) =	sbr.rel @p1 .LBB1_3-.Ltmp3, $4  }
0x36: {  	v0 =	vld [tilespmem:s18+$0x0];
	[tilespmem:s15+$0x0 ss:$0x81] =	vst.msk $0xffff, v1  }
0x37: {  	s15 =	sshra.s32 s19, $0x2;
	v1 =	vld [tilespmem:s18+$0xFFFFFFE0]  }
0x38: {  	s15 =	sadd.s32 s15, s16  }
0x39: {  	s18 =	sadd.s32 $0x40, s18;
	[tilespmem:s15+$0x1830 ss:$0x81] =	vst.msk $0xffff, v3  }
.Ltmp4:
0x3a: {  	_ = 	snop;
	(pc) =	sbr.rel .LBB1_4-.Ltmp4, $1  }
0x3b: {  	_ =	sdelay $0x3  }
.LBB1_6:
0x3c: {  	_ =	sfence.sel $0x180000  }
0x3d: {  	s2 =	simm.s32 $0x1;
	[bflag:$0x0] =	sbarrier.arrive $0xFFFF  }
0x3e: {  	s31 =	simm.s32 $0x2;
	[sflag:s2] =	ssyncpa.u1 $0x1  }
0x3f: {  	[sflag:s31] =	ssyncpa.u1 $0x1  }
0x40: {  	p0 =	sne.s32 s0, $0x0;
	_ =	strace $0x9000004A  }
0x41: {  	s0 =	sadd.s32 @!p0 $0x100000, s1;
	[bflag:$0x2] =	sbarrier.arrive $0xFFFF  }
0x42: {  	[sflag:s0] =	ssyncadd.tile.s32 @!p0 $0x1;
	_ =	shalt  }
.Lfunc_end1:
_tile_overlayer_lowered:
.L_overlay_start_2:
0x43: {  	(tag) =	ssettag $0x2  }
0x44: {  	s0 =	rddreg [dreg:$0x0];
	s2 =	stileid.u32  }
0x45: {  	s1 =	rddreg [dreg:$0x1];
	p0 =	sne.s32 s2, $0x0  }
0x46: {  	s3 =	rddreg [dreg:$0x2];
	[bflag:$0x3] =	sbarrier.arrive $0xFFFF;
	s2 =	simm.s32 @!p0 $0x1C01  }
0x47: {  	[timem:s3], [sflag:s2] =	dma.local @!p0 [hbm:s0], s1  }
0x48: {  	s0 =	simm.s32 @!p0 $0x1  }
0x49: {  	_ =	swait.ge @!p0 [sflag:s0], s1  }
0x4a: {  	s1 =	ssub.s32 @!p0 $0x0, s1;
	[sflag:s0] =	ssyncset.done @!p0 $0x0  }
0x4b: {  	[sflag:s0] =	ssyncadd.s32 @!p0 s1  }
0x4c: {  	[bflag:$0x3] =	sbarrier.arrive $0xFFFF  }
0x4d: {  	_ =	shalt  }

</sc_bundles>
